<compile_context>
chip_gen: v7x
topology: tpu7x:2x2x1
jax: 0.10.2.dev20260603
libtpu: 0.0.44.dev20260713+nightly
codegen_flags: <defaults>
</compile_context>

<pallas_src>
import functools

import jax
import jax.numpy as jnp
from jax import lax
from jax.experimental import pallas as pl
from jax.experimental.pallas import tpu as pltpu
from jax.experimental.pallas import tpu_sc as plsc

N_SRC = 10000
N_TGT = 10000
N_EDGE = 320000
D = 128
TF_D = 32

NW = 32
CH = 128
NCHT = N_EDGE // CH
NCH = 80
NCHR = NCHT - 31 * NCH
PADR = 32 * NCH - NCHT
DEG_N = 10240
DEG_RPT = DEG_N // 16
ACC_N = 10112
RPT = ACC_N // 16
PH = 2
PCH = NCH // PH


def _sc_mesh():
    return plsc.VectorSubcoreMesh(core_axis_name="c", subcore_axis_name="s")


def _deg_count(row2d):

    @functools.partial(
        pl.kernel,
        out_type=jax.ShapeDtypeStruct((2, DEG_N), jnp.float32),
        mesh=_sc_mesh(),
        scratch_types=[
            pltpu.VMEM((NCH, CH), jnp.int32),
            pltpu.VMEM((CH,), jnp.float32),
            pltpu.VMEM((DEG_RPT,), jnp.float32),
            pltpu.VMEM_SHARED((DEG_N,), jnp.float32),
            pltpu.SemaphoreType.DMA,
            pltpu.SemaphoreType.DMA,
        ],
    )
    def k(row_hbm, out_hbm, idx_v, ones_v, zst_v, deg_sh, semi, sem):
        c = lax.axis_index("c")
        s = lax.axis_index("s")
        w = c * 16 + s
        nch_w = jnp.where(w < NW - 1, NCH, NCHR)
        for j in range(CH // 16):
            ones_v[pl.ds(j * 16, 16)] = jnp.ones((16,), jnp.float32)
        for j in range(DEG_RPT // 16):
            zst_v[pl.ds(j * 16, 16)] = jnp.zeros((16,), jnp.float32)
        idx_cp = pltpu.async_copy(row_hbm.at[pl.ds(w * NCH, NCH)], idx_v, semi)
        pltpu.sync_copy(zst_v, deg_sh.at[pl.ds(s * DEG_RPT, DEG_RPT)])
        idx_cp.wait()
        plsc.subcore_barrier()

        def body(i, _):
            cps = [
                pltpu.async_copy(ones_v, deg_sh.at[idx_v.at[i * 4 + g]], sem,
                                 add=True)
                for g in range(4)
            ]
            for cp in cps:
                cp.wait()
            return 0

        lax.fori_loop(0, nch_w // 4, body, 0)
        plsc.subcore_barrier()

        @pl.when(s == 0)
        def _():
            pltpu.sync_copy(deg_sh, out_hbm.at[c])

    return k(row2d)


def _scale_matmul(degp, x, w):

    def body(d_ref, x_ref, w_ref, o_ref):
        dis = lax.rsqrt(d_ref[0] + d_ref[1] + 1.0)
        o_ref[...] = jnp.dot(x_ref[...] * dis, w_ref[...],
                             preferred_element_type=jnp.float32)

    return pl.pallas_call(
        body,
        out_shape=jax.ShapeDtypeStruct((N_SRC, D), jnp.float32),
    )(degp, x, w)


def _aggregate(hs, row2d, col2d):

    @functools.partial(
        pl.kernel,
        out_type=jax.ShapeDtypeStruct((2, ACC_N, D), jnp.float32),
        mesh=_sc_mesh(),
        scratch_types=[
            pltpu.VMEM((PCH, CH), jnp.int32),
            pltpu.VMEM((PCH, CH), jnp.int32),
            pltpu.VMEM((CH, D), jnp.float32),
            pltpu.VMEM((CH, D), jnp.float32),
            pltpu.VMEM_SHARED((ACC_N, D), jnp.float32),
            pltpu.SemaphoreType.DMA,
            pltpu.SemaphoreType.DMA,
            pltpu.SemaphoreType.DMA,
        ],
    )
    def k(hs_hbm, row_hbm, col_hbm, out_hbm, idx_r, idx_c, rows_a, rows_b,
          acc_sh, semi, sem_a, sem_b):
        c = lax.axis_index("c")
        s = lax.axis_index("s")
        w = c * 16 + s

        def zrow(i, _):
            for j in range(D // 16):
                rows_a[i, pl.ds(j * 16, 16)] = jnp.zeros((16,), jnp.float32)
            return 0

        lax.fori_loop(0, CH, zrow, 0)
        for q in range(RPT // CH):
            pltpu.sync_copy(rows_a, acc_sh.at[pl.ds(s * RPT + q * CH, CH)])
        rem = RPT - (RPT // CH) * CH
        pltpu.sync_copy(rows_a.at[pl.ds(0, rem)],
                        acc_sh.at[pl.ds(s * RPT + RPT - rem, rem)])
        plsc.subcore_barrier()

        for p in range(PH):
            pairs = PCH // 2
            pltpu.sync_copy(row_hbm.at[pl.ds(w * NCH + p * PCH, PCH)], idx_r)
            pltpu.sync_copy(col_hbm.at[pl.ds(w * NCH + p * PCH, PCH)], idx_c)
            pltpu.async_copy(hs_hbm.at[idx_r.at[0]], rows_a, sem_a)

            def body(j, _):
                pltpu.async_copy(hs_hbm.at[idx_r.at[2 * j + 1]], rows_b, sem_b)
                pltpu.make_async_copy(hs_hbm.at[idx_r.at[2 * j]], rows_a,
                                      sem_a).wait()
                pltpu.sync_copy(rows_a, acc_sh.at[idx_c.at[2 * j]], add=True)

                @pl.when(j < pairs - 1)
                def _():
                    pltpu.async_copy(hs_hbm.at[idx_r.at[2 * j + 2]], rows_a,
                                     sem_a)

                pltpu.make_async_copy(hs_hbm.at[idx_r.at[2 * j + 1]], rows_b,
                                      sem_b).wait()
                pltpu.sync_copy(rows_b, acc_sh.at[idx_c.at[2 * j + 1]],
                                add=True)
                return 0

            lax.fori_loop(0, pairs, body, 0)

        plsc.subcore_barrier()
        pltpu.sync_copy(acc_sh.at[pl.ds(s * RPT, RPT)],
                        out_hbm.at[c, pl.ds(s * RPT, RPT)])

    return k(hs, row2d, col2d)


def _finalize(acc, b, tf):

    def body(a_ref, b_ref, t_ref, o_ref):
        y = a_ref[0, :N_TGT, :] + a_ref[1, :N_TGT, :] + b_ref[...]
        o_ref[:, :D] = jnp.maximum(y, 0.0)
        o_ref[:, D:] = jnp.abs(t_ref[...])

    return pl.pallas_call(
        body,
        out_shape=jax.ShapeDtypeStruct((N_TGT, D + TF_D), jnp.float32),
    )(acc, b, tf)


def kernel(x, inter_edge_index, W, b, target_feat):
    pad = jnp.arange(PADR * CH, dtype=inter_edge_index.dtype)
    row2d = jnp.concatenate([inter_edge_index[0], pad % N_SRC]).reshape(-1, CH)
    col2d = jnp.concatenate(
        [inter_edge_index[1], N_TGT + pad % (ACC_N - N_TGT)]).reshape(-1, CH)
    degp = _deg_count(row2d)
    hs = _scale_matmul(degp[:, :N_SRC, None], x, W)
    acc = _aggregate(hs, row2d, col2d)
    return _finalize(acc, b, target_feat)

# --- scband reference (transcript-rebuilt; emitter-appended) ---
"""Pipeline reference for scband-grip-net-super-edges-6416681140880 (READ-ONLY COPY).

The authoritative reference and input builder live on the scoring server;
editing this copy changes nothing except your own understanding.
"""

import jax, jax.numpy as jnp
import numpy as np

N_SOURCE = 10000
N_TARGET = 10000
N_EDGES = 320000
SOURCE_DIM = 128
TARGET_DIM = 128
TARGET_FEAT_DIM = 32


def setup_inputs(seed: int = 0) -> dict:
    key = jax.random.key(seed)
    k1, k2, k3, k4 = jax.random.split(key, 4)
    x = jax.random.normal(k1, (N_SOURCE, SOURCE_DIM), dtype=jnp.float32)
    inter_edge_index = jax.random.randint(k2, (2, N_EDGES), 0, N_SOURCE, dtype=jnp.int32)
    # GCNEncoderLayer params (glorot weight, zero bias)
    limit = float(np.sqrt(6.0 / (SOURCE_DIM + TARGET_DIM)))
    W = jax.random.uniform(k3, (SOURCE_DIM, TARGET_DIM), minval=-limit, maxval=limit, dtype=jnp.float32)
    b = jnp.zeros((TARGET_DIM,), dtype=jnp.float32)
    # target_feat parameter, initialized with normal_()
    target_feat = jax.random.normal(k4, (N_TARGET, TARGET_FEAT_DIM), dtype=jnp.float32)
    return {"x": x, "inter_edge_index": inter_edge_index, "W": W, "b": b, "target_feat": target_feat}


def reference(x, inter_edge_index, W, b, target_feat):
    n_source = x.shape[0]
    n_total = n_source + N_TARGET
    # tmp = inter_edge_index + 0; tmp[1,:] += n_source
    row = inter_edge_index[0]
    col = inter_edge_index[1] + n_source
    # x = cat([x, zeros(n_target, d)], dim=0)
    x_full = jnp.concatenate([x, jnp.zeros((N_TARGET, x.shape[1]), dtype=x.dtype)], axis=0)
    # GCN norm: add remaining self-loops (bipartite shifted graph has none), symmetric normalization
    loop = jnp.arange(n_total, dtype=row.dtype)
    row_full = jnp.concatenate([row, loop])
    col_full = jnp.concatenate([col, loop])
    ew = jnp.ones((row_full.shape[0],), dtype=x.dtype)
    deg = jax.ops.segment_sum(ew, row_full, num_segments=n_total)
    deg_inv_sqrt = jnp.where(deg > 0, deg ** -0.5, 0.0)
    norm = deg_inv_sqrt[row_full] * ew * deg_inv_sqrt[col_full]
    # linear transform then propagate (aggregate messages from row at col)
    h = x_full @ W
    msg = norm[:, None] * h[row_full]
    out = jax.ops.segment_sum(msg, col_full, num_segments=n_total) + b
    # take target rows
    out_t = out[n_source:, :]
    # if_relu=True
    out_t = jax.nn.relu(out_t)
    # mod='cat'
    return jnp.concatenate([out_t, jnp.abs(target_feat)], axis=1)

if __name__ == "__main__":
    import jax
    _d = setup_inputs()
    print(jax.jit(kernel)(*tuple(_d.values())))

</pallas_src>

<mosaic_0001>
#map = affine_map<(d0, d1) -> (0, 0)>
module attributes {stable_mosaic.version = 14 : i64} {
  func.func @k(%arg0: i32, %arg1: i32, %arg2: memref<2560x128xi32, #tpu.memory_space<hbm>>, %arg3: memref<2x10240xf32, #tpu.memory_space<hbm>>, %arg4: memref<80x128xi32, #tpu.memory_space<vmem>>, %arg5: memref<128xf32, #tpu.memory_space<vmem>>, %arg6: memref<640xf32, #tpu.memory_space<vmem>>, %arg7: memref<10240xf32, #tpu.memory_space<vmem_shared>>, %arg8: memref<!tpu.dma_semaphore, #tpu.memory_space<semaphore_mem>>, %arg9: memref<!tpu.dma_semaphore, #tpu.memory_space<semaphore_mem>>) attributes {dimension_semantics = [#tpu.dimension_semantics<core_parallel>, #tpu.dimension_semantics<subcore_parallel>], iteration_bounds = array<i64: 2, 16>, scalar_prefetch = 0 : i64, scratch_operands = 6 : i64, tpu.core_type = #tpu.core_type<sc_vector_subcore>, window_params = [{transform_indices = #map}, {transform_indices = #map}]} {
    %mul3A = arith.constant 16 : i32
    %mul3A_0 = arith.muli %arg0, %mul3A : i32
    %add3A = arith.addi %mul3A_0, %arg1 : i32
    %lt3A = arith.constant 31 : i32
    %lt3A_1 = arith.cmpi slt, %add3A, %lt3A : i32
    %jit3A = arith.constant 80 : i32
    %jit3A_2 = arith.constant 20 : i32
    %select_n3A = arith.select %lt3A_1, %jit3A, %jit3A_2 : i32
    %broadcast_in_dim3A = arith.constant 1.000000e+00 : f32
    %broadcast_in_dim3A_3 = vector.broadcast %broadcast_in_dim3A : f32 to vector<16xf32>
    %swap3A = arith.constant 0 : index
    %swap3A_4 = tpu.vector_load %arg5[%swap3A] {strides = array<i32>} : memref<128xf32, #tpu.memory_space<vmem>>, vector<16xf32>,
    %swap3A_5 = vector.shape_cast %swap3A_4 : vector<16xf32> to vector<16xf32>
    %swap3A_6 = vector.shape_cast %broadcast_in_dim3A_3 : vector<16xf32> to vector<16xf32>
    tpu.vector_store %arg5[%swap3A], %swap3A_6 {strides = array<i32>} : memref<128xf32, #tpu.memory_space<vmem>>, vector<16xf32>,
    %broadcast_in_dim3A_7 = arith.constant 1.000000e+00 : f32
    %broadcast_in_dim3A_8 = vector.broadcast %broadcast_in_dim3A_7 : f32 to vector<16xf32>
    %swap3A_9 = arith.constant 16 : index
    %swap3A_10 = tpu.vector_load %arg5[%swap3A_9] {strides = array<i32>} : memref<128xf32, #tpu.memory_space<vmem>>, vector<16xf32>,
    %swap3A_11 = vector.shape_cast %swap3A_10 : vector<16xf32> to vector<16xf32>
    %swap3A_12 = vector.shape_cast %broadcast_in_dim3A_8 : vector<16xf32> to vector<16xf32>
    tpu.vector_store %arg5[%swap3A_9], %swap3A_12 {strides = array<i32>} : memref<128xf32, #tpu.memory_space<vmem>>, vector<16xf32>,
    %broadcast_in_dim3A_13 = arith.constant 1.000000e+00 : f32
    %broadcast_in_dim3A_14 = vector.broadcast %broadcast_in_dim3A_13 : f32 to vector<16xf32>
    %swap3A_15 = arith.constant 32 : index
    %swap3A_16 = tpu.vector_load %arg5[%swap3A_15] {strides = array<i32>} : memref<128xf32, #tpu.memory_space<vmem>>, vector<16xf32>,
    %swap3A_17 = vector.shape_cast %swap3A_16 : vector<16xf32> to vector<16xf32>
    %swap3A_18 = vector.shape_cast %broadcast_in_dim3A_14 : vector<16xf32> to vector<16xf32>
    tpu.vector_store %arg5[%swap3A_15], %swap3A_18 {strides = array<i32>} : memref<128xf32, #tpu.memory_space<vmem>>, vector<16xf32>,
    %broadcast_in_dim3A_19 = arith.constant 1.000000e+00 : f32
    %broadcast_in_dim3A_20 = vector.broadcast %broadcast_in_dim3A_19 : f32 to vector<16xf32>
    %swap3A_21 = arith.constant 48 : index
    %swap3A_22 = tpu.vector_load %arg5[%swap3A_21] {strides = array<i32>} : memref<128xf32, #tpu.memory_space<vmem>>, vector<16xf32>,
    %swap3A_23 = vector.shape_cast %swap3A_22 : vector<16xf32> to vector<16xf32>
    %swap3A_24 = vector.shape_cast %broadcast_in_dim3A_20 : vector<16xf32> to vector<16xf32>
    tpu.vector_store %arg5[%swap3A_21], %swap3A_24 {strides = array<i32>} : memref<128xf32, #tpu.memory_space<vmem>>, vector<16xf32>,
    %broadcast_in_dim3A_25 = arith.constant 1.000000e+00 : f32
    %broadcast_in_dim3A_26 = vector.broadcast %broadcast_in_dim3A_25 : f32 to vector<16xf32>
    %swap3A_27 = arith.constant 64 : index
    %swap3A_28 = tpu.vector_load %arg5[%swap3A_27] {strides = array<i32>} : memref<128xf32, #tpu.memory_space<vmem>>, vector<16xf32>,
    %swap3A_29 = vector.shape_cast %swap3A_28 : vector<16xf32> to vector<16xf32>
    %swap3A_30 = vector.shape_cast %broadcast_in_dim3A_26 : vector<16xf32> to vector<16xf32>
    tpu.vector_store %arg5[%swap3A_27], %swap3A_30 {strides = array<i32>} : memref<128xf32, #tpu.memory_space<vmem>>, vector<16xf32>,
    %broadcast_in_dim3A_31 = arith.constant 1.000000e+00 : f32
    %broadcast_in_dim3A_32 = vector.broadcast %broadcast_in_dim3A_31 : f32 to vector<16xf32>
    %swap3A_33 = arith.constant 80 : index
    %swap3A_34 = tpu.vector_load %arg5[%swap3A_33] {strides = array<i32>} : memref<128xf32, #tpu.memory_space<vmem>>, vector<16xf32>,
    %swap3A_35 = vector.shape_cast %swap3A_34 : vector<16xf32> to vector<16xf32>
    %swap3A_36 = vector.shape_cast %broadcast_in_dim3A_32 : vector<16xf32> to vector<16xf32>
    tpu.vector_store %arg5[%swap3A_33], %swap3A_36 {strides = array<i32>} : memref<128xf32, #tpu.memory_space<vmem>>, vector<16xf32>,
    %broadcast_in_dim3A_37 = arith.constant 1.000000e+00 : f32
    %broadcast_in_dim3A_38 = vector.broadcast %broadcast_in_dim3A_37 : f32 to vector<16xf32>
    %swap3A_39 = arith.constant 96 : index
    %swap3A_40 = tpu.vector_load %arg5[%swap3A_39] {strides = array<i32>} : memref<128xf32, #tpu.memory_space<vmem>>, vector<16xf32>,
    %swap3A_41 = vector.shape_cast %swap3A_40 : vector<16xf32> to vector<16xf32>
    %swap3A_42 = vector.shape_cast %broadcast_in_dim3A_38 : vector<16xf32> to vector<16xf32>
    tpu.vector_store %arg5[%swap3A_39], %swap3A_42 {strides = array<i32>} : memref<128xf32, #tpu.memory_space<vmem>>, vector<16xf32>,
    %broadcast_in_dim3A_43 = arith.constant 1.000000e+00 : f32
    %broadcast_in_dim3A_44 = vector.broadcast %broadcast_in_dim3A_43 : f32 to vector<16xf32>
    %swap3A_45 = arith.constant 112 : index
    %swap3A_46 = tpu.vector_load %arg5[%swap3A_45] {strides = array<i32>} : memref<128xf32, #tpu.memory_space<vmem>>, vector<16xf32>,
    %swap3A_47 = vector.shape_cast %swap3A_46 : vector<16xf32> to vector<16xf32>
    %swap3A_48 = vector.shape_cast %broadcast_in_dim3A_44 : vector<16xf32> to vector<16xf32>
    tpu.vector_store %arg5[%swap3A_45], %swap3A_48 {strides = array<i32>} : memref<128xf32, #tpu.memory_space<vmem>>, vector<16xf32>,
    %broadcast_in_dim3A_49 = arith.constant 0.000000e+00 : f32
    %broadcast_in_dim3A_50 = vector.broadcast %broadcast_in_dim3A_49 : f32 to vector<16xf32>
    %swap3A_51 = arith.constant 0 : index
    %swap3A_52 = tpu.vector_load %arg6[%swap3A_51] {strides = array<i32>} : memref<640xf32, #tpu.memory_space<vmem>>, vector<16xf32>,
    %swap3A_53 = vector.shape_cast %swap3A_52 : vector<16xf32> to vector<16xf32>
    %swap3A_54 = vector.shape_cast %broadcast_in_dim3A_50 : vector<16xf32> to vector<16xf32>
    tpu.vector_store %arg6[%swap3A_51], %swap3A_54 {strides = array<i32>} : memref<640xf32, #tpu.memory_space<vmem>>, vector<16xf32>,
    %broadcast_in_dim3A_55 = arith.constant 0.000000e+00 : f32
    %broadcast_in_dim3A_56 = vector.broadcast %broadcast_in_dim3A_55 : f32 to vector<16xf32>
    %swap3A_57 = arith.constant 16 : index
    %swap3A_58 = tpu.vector_load %arg6[%swap3A_57] {strides = array<i32>} : memref<640xf32, #tpu.memory_space<vmem>>, vector<16xf32>,
    %swap3A_59 = vector.shape_cast %swap3A_58 : vector<16xf32> to vector<16xf32>
    %swap3A_60 = vector.shape_cast %broadcast_in_dim3A_56 : vector<16xf32> to vector<16xf32>
    tpu.vector_store %arg6[%swap3A_57], %swap3A_60 {strides = array<i32>} : memref<640xf32, #tpu.memory_space<vmem>>, vector<16xf32>,
    %broadcast_in_dim3A_61 = arith.constant 0.000000e+00 : f32
    %broadcast_in_dim3A_62 = vector.broadcast %broadcast_in_dim3A_61 : f32 to vector<16xf32>
    %swap3A_63 = arith.constant 32 : index
    %swap3A_64 = tpu.vector_load %arg6[%swap3A_63] {strides = array<i32>} : memref<640xf32, #tpu.memory_space<vmem>>, vector<16xf32>,
    %swap3A_65 = vector.shape_cast %swap3A_64 : vector<16xf32> to vector<16xf32>
    %swap3A_66 = vector.shape_cast %broadcast_in_dim3A_62 : vector<16xf32> to vector<16xf32>
    tpu.vector_store %arg6[%swap3A_63], %swap3A_66 {strides = array<i32>} : memref<640xf32, #tpu.memory_space<vmem>>, vector<16xf32>,
    %broadcast_in_dim3A_67 = arith.constant 0.000000e+00 : f32
    %broadcast_in_dim3A_68 = vector.broadcast %broadcast_in_dim3A_67 : f32 to vector<16xf32>
    %swap3A_69 = arith.constant 48 : index
    %swap3A_70 = tpu.vector_load %arg6[%swap3A_69] {strides = array<i32>} : memref<640xf32, #tpu.memory_space<vmem>>, vector<16xf32>,
    %swap3A_71 = vector.shape_cast %swap3A_70 : vector<16xf32> to vector<16xf32>
    %swap3A_72 = vector.shape_cast %broadcast_in_dim3A_68 : vector<16xf32> to vector<16xf32>
    tpu.vector_store %arg6[%swap3A_69], %swap3A_72 {strides = array<i32>} : memref<640xf32, #tpu.memory_space<vmem>>, vector<16xf32>,
    %broadcast_in_dim3A_73 = arith.constant 0.000000e+00 : f32
    %broadcast_in_dim3A_74 = vector.broadcast %broadcast_in_dim3A_73 : f32 to vector<16xf32>
    %swap3A_75 = arith.constant 64 : index
    %swap3A_76 = tpu.vector_load %arg6[%swap3A_75] {strides = array<i32>} : memref<640xf32, #tpu.memory_space<vmem>>, vector<16xf32>,
    %swap3A_77 = vector.shape_cast %swap3A_76 : vector<16xf32> to vector<16xf32>
    %swap3A_78 = vector.shape_cast %broadcast_in_dim3A_74 : vector<16xf32> to vector<16xf32>
    tpu.vector_store %arg6[%swap3A_75], %swap3A_78 {strides = array<i32>} : memref<640xf32, #tpu.memory_space<vmem>>, vector<16xf32>,
    %broadcast_in_dim3A_79 = arith.constant 0.000000e+00 : f32
    %broadcast_in_dim3A_80 = vector.broadcast %broadcast_in_dim3A_79 : f32 to vector<16xf32>
    %swap3A_81 = arith.constant 80 : index
    %swap3A_82 = tpu.vector_load %arg6[%swap3A_81] {strides = array<i32>} : memref<640xf32, #tpu.memory_space<vmem>>, vector<16xf32>,
    %swap3A_83 = vector.shape_cast %swap3A_82 : vector<16xf32> to vector<16xf32>
    %swap3A_84 = vector.shape_cast %broadcast_in_dim3A_80 : vector<16xf32> to vector<16xf32>
    tpu.vector_store %arg6[%swap3A_81], %swap3A_84 {strides = array<i32>} : memref<640xf32, #tpu.memory_space<vmem>>, vector<16xf32>,
    %broadcast_in_dim3A_85 = arith.constant 0.000000e+00 : f32
    %broadcast_in_dim3A_86 = vector.broadcast %broadcast_in_dim3A_85 : f32 to vector<16xf32>
    %swap3A_87 = arith.constant 96 : index
    %swap3A_88 = tpu.vector_load %arg6[%swap3A_87] {strides = array<i32>} : memref<640xf32, #tpu.memory_space<vmem>>, vector<16xf32>,
    %swap3A_89 = vector.shape_cast %swap3A_88 : vector<16xf32> to vector<16xf32>
    %swap3A_90 = vector.shape_cast %broadcast_in_dim3A_86 : vector<16xf32> to vector<16xf32>
    tpu.vector_store %arg6[%swap3A_87], %swap3A_90 {strides = array<i32>} : memref<640xf32, #tpu.memory_space<vmem>>, vector<16xf32>,
    %broadcast_in_dim3A_91 = arith.constant 0.000000e+00 : f32
    %broadcast_in_dim3A_92 = vector.broadcast %broadcast_in_dim3A_91 : f32 to vector<16xf32>
    %swap3A_93 = arith.constant 112 : index
    %swap3A_94 = tpu.vector_load %arg6[%swap3A_93] {strides = array<i32>} : memref<640xf32, #tpu.memory_space<vmem>>, vector<16xf32>,
    %swap3A_95 = vector.shape_cast %swap3A_94 : vector<16xf32> to vector<16xf32>
    %swap3A_96 = vector.shape_cast %broadcast_in_dim3A_92 : vector<16xf32> to vector<16xf32>
    tpu.vector_store %arg6[%swap3A_93], %swap3A_96 {strides = array<i32>} : memref<640xf32, #tpu.memory_space<vmem>>, vector<16xf32>,
    %broadcast_in_dim3A_97 = arith.constant 0.000000e+00 : f32
    %broadcast_in_dim3A_98 = vector.broadcast %broadcast_in_dim3A_97 : f32 to vector<16xf32>
    %swap3A_99 = arith.constant 128 : index
    %swap3A_100 = tpu.vector_load %arg6[%swap3A_99] {strides = array<i32>} : memref<640xf32, #tpu.memory_space<vmem>>, vector<16xf32>,
    %swap3A_101 = vector.shape_cast %swap3A_100 : vector<16xf32> to vector<16xf32>
    %swap3A_102 = vector.shape_cast %broadcast_in_dim3A_98 : vector<16xf32> to vector<16xf32>
    tpu.vector_store %arg6[%swap3A_99], %swap3A_102 {strides = array<i32>} : memref<640xf32, #tpu.memory_space<vmem>>, vector<16xf32>,
    %broadcast_in_dim3A_103 = arith.constant 0.000000e+00 : f32
    %broadcast_in_dim3A_104 = vector.broadcast %broadcast_in_dim3A_103 : f32 to vector<16xf32>
    %swap3A_105 = arith.constant 144 : index
    %swap3A_106 = tpu.vector_load %arg6[%swap3A_105] {strides = array<i32>} : memref<640xf32, #tpu.memory_space<vmem>>, vector<16xf32>,
    %swap3A_107 = vector.shape_cast %swap3A_106 : vector<16xf32> to vector<16xf32>
    %swap3A_108 = vector.shape_cast %broadcast_in_dim3A_104 : vector<16xf32> to vector<16xf32>
    tpu.vector_store %arg6[%swap3A_105], %swap3A_108 {strides = array<i32>} : memref<640xf32, #tpu.memory_space<vmem>>, vector<16xf32>,
    %broadcast_in_dim3A_109 = arith.constant 0.000000e+00 : f32
    %broadcast_in_dim3A_110 = vector.broadcast %broadcast_in_dim3A_109 : f32 to vector<16xf32>
    %swap3A_111 = arith.constant 160 : index
    %swap3A_112 = tpu.vector_load %arg6[%swap3A_111] {strides = array<i32>} : memref<640xf32, #tpu.memory_space<vmem>>, vector<16xf32>,
    %swap3A_113 = vector.shape_cast %swap3A_112 : vector<16xf32> to vector<16xf32>
    %swap3A_114 = vector.shape_cast %broadcast_in_dim3A_110 : vector<16xf32> to vector<16xf32>
    tpu.vector_store %arg6[%swap3A_111], %swap3A_114 {strides = array<i32>} : memref<640xf32, #tpu.memory_space<vmem>>, vector<16xf32>,
    %broadcast_in_dim3A_115 = arith.constant 0.000000e+00 : f32
    %broadcast_in_dim3A_116 = vector.broadcast %broadcast_in_dim3A_115 : f32 to vector<16xf32>
    %swap3A_117 = arith.constant 176 : index
    %swap3A_118 = tpu.vector_load %arg6[%swap3A_117] {strides = array<i32>} : memref<640xf32, #tpu.memory_space<vmem>>, vector<16xf32>,
    %swap3A_119 = vector.shape_cast %swap3A_118 : vector<16xf32> to vector<16xf32>
    %swap3A_120 = vector.shape_cast %broadcast_in_dim3A_116 : vector<16xf32> to vector<16xf32>
    tpu.vector_store %arg6[%swap3A_117], %swap3A_120 {strides = array<i32>} : memref<640xf32, #tpu.memory_space<vmem>>, vector<16xf32>,
    %broadcast_in_dim3A_121 = arith.constant 0.000000e+00 : f32
    %broadcast_in_dim3A_122 = vector.broadcast %broadcast_in_dim3A_121 : f32 to vector<16xf32>
    %swap3A_123 = arith.constant 192 : index
    %swap3A_124 = tpu.vector_load %arg6[%swap3A_123] {strides = array<i32>} : memref<640xf32, #tpu.memory_space<vmem>>, vector<16xf32>,
    %swap3A_125 = vector.shape_cast %swap3A_124 : vector<16xf32> to vector<16xf32>
    %swap3A_126 = vector.shape_cast %broadcast_in_dim3A_122 : vector<16xf32> to vector<16xf32>
    tpu.vector_store %arg6[%swap3A_123], %swap3A_126 {strides = array<i32>} : memref<640xf32, #tpu.memory_space<vmem>>, vector<16xf32>,
    %broadcast_in_dim3A_127 = arith.constant 0.000000e+00 : f32
    %broadcast_in_dim3A_128 = vector.broadcast %broadcast_in_dim3A_127 : f32 to vector<16xf32>
    %swap3A_129 = arith.constant 208 : index
    %swap3A_130 = tpu.vector_load %arg6[%swap3A_129] {strides = array<i32>} : memref<640xf32, #tpu.memory_space<vmem>>, vector<16xf32>,
    %swap3A_131 = vector.shape_cast %swap3A_130 : vector<16xf32> to vector<16xf32>
    %swap3A_132 = vector.shape_cast %broadcast_in_dim3A_128 : vector<16xf32> to vector<16xf32>
    tpu.vector_store %arg6[%swap3A_129], %swap3A_132 {strides = array<i32>} : memref<640xf32, #tpu.memory_space<vmem>>, vector<16xf32>,
    %broadcast_in_dim3A_133 = arith.constant 0.000000e+00 : f32
    %broadcast_in_dim3A_134 = vector.broadcast %broadcast_in_dim3A_133 : f32 to vector<16xf32>
    %swap3A_135 = arith.constant 224 : index
    %swap3A_136 = tpu.vector_load %arg6[%swap3A_135] {strides = array<i32>} : memref<640xf32, #tpu.memory_space<vmem>>, vector<16xf32>,
    %swap3A_137 = vector.shape_cast %swap3A_136 : vector<16xf32> to vector<16xf32>
    %swap3A_138 = vector.shape_cast %broadcast_in_dim3A_134 : vector<16xf32> to vector<16xf32>
    tpu.vector_store %arg6[%swap3A_135], %swap3A_138 {strides = array<i32>} : memref<640xf32, #tpu.memory_space<vmem>>, vector<16xf32>,
    %broadcast_in_dim3A_139 = arith.constant 0.000000e+00 : f32
    %broadcast_in_dim3A_140 = vector.broadcast %broadcast_in_dim3A_139 : f32 to vector<16xf32>
    %swap3A_141 = arith.constant 240 : index
    %swap3A_142 = tpu.vector_load %arg6[%swap3A_141] {strides = array<i32>} : memref<640xf32, #tpu.memory_space<vmem>>, vector<16xf32>,
    %swap3A_143 = vector.shape_cast %swap3A_142 : vector<16xf32> to vector<16xf32>
    %swap3A_144 = vector.shape_cast %broadcast_in_dim3A_140 : vector<16xf32> to vector<16xf32>
    tpu.vector_store %arg6[%swap3A_141], %swap3A_144 {strides = array<i32>} : memref<640xf32, #tpu.memory_space<vmem>>, vector<16xf32>,
    %broadcast_in_dim3A_145 = arith.constant 0.000000e+00 : f32
    %broadcast_in_dim3A_146 = vector.broadcast %broadcast_in_dim3A_145 : f32 to vector<16xf32>
    %swap3A_147 = arith.constant 256 : index
    %swap3A_148 = tpu.vector_load %arg6[%swap3A_147] {strides = array<i32>} : memref<640xf32, #tpu.memory_space<vmem>>, vector<16xf32>,
    %swap3A_149 = vector.shape_cast %swap3A_148 : vector<16xf32> to vector<16xf32>
    %swap3A_150 = vector.shape_cast %broadcast_in_dim3A_146 : vector<16xf32> to vector<16xf32>
    tpu.vector_store %arg6[%swap3A_147], %swap3A_150 {strides = array<i32>} : memref<640xf32, #tpu.memory_space<vmem>>, vector<16xf32>,
    %broadcast_in_dim3A_151 = arith.constant 0.000000e+00 : f32
    %broadcast_in_dim3A_152 = vector.broadcast %broadcast_in_dim3A_151 : f32 to vector<16xf32>
    %swap3A_153 = arith.constant 272 : index
    %swap3A_154 = tpu.vector_load %arg6[%swap3A_153] {strides = array<i32>} : memref<640xf32, #tpu.memory_space<vmem>>, vector<16xf32>,
    %swap3A_155 = vector.shape_cast %swap3A_154 : vector<16xf32> to vector<16xf32>
    %swap3A_156 = vector.shape_cast %broadcast_in_dim3A_152 : vector<16xf32> to vector<16xf32>
    tpu.vector_store %arg6[%swap3A_153], %swap3A_156 {strides = array<i32>} : memref<640xf32, #tpu.memory_space<vmem>>, vector<16xf32>,
    %broadcast_in_dim3A_157 = arith.constant 0.000000e+00 : f32
    %broadcast_in_dim3A_158 = vector.broadcast %broadcast_in_dim3A_157 : f32 to vector<16xf32>
    %swap3A_159 = arith.constant 288 : index
    %swap3A_160 = tpu.vector_load %arg6[%swap3A_159] {strides = array<i32>} : memref<640xf32, #tpu.memory_space<vmem>>, vector<16xf32>,
    %swap3A_161 = vector.shape_cast %swap3A_160 : vector<16xf32> to vector<16xf32>
    %swap3A_162 = vector.shape_cast %broadcast_in_dim3A_158 : vector<16xf32> to vector<16xf32>
    tpu.vector_store %arg6[%swap3A_159], %swap3A_162 {strides = array<i32>} : memref<640xf32, #tpu.memory_space<vmem>>, vector<16xf32>,
    %broadcast_in_dim3A_163 = arith.constant 0.000000e+00 : f32
    %broadcast_in_dim3A_164 = vector.broadcast %broadcast_in_dim3A_163 : f32 to vector<16xf32>
    %swap3A_165 = arith.constant 304 : index
    %swap3A_166 = tpu.vector_load %arg6[%swap3A_165] {strides = array<i32>} : memref<640xf32, #tpu.memory_space<vmem>>, vector<16xf32>,
    %swap3A_167 = vector.shape_cast %swap3A_166 : vector<16xf32> to vector<16xf32>
    %swap3A_168 = vector.shape_cast %broadcast_in_dim3A_164 : vector<16xf32> to vector<16xf32>
    tpu.vector_store %arg6[%swap3A_165], %swap3A_168 {strides = array<i32>} : memref<640xf32, #tpu.memory_space<vmem>>, vector<16xf32>,
    %broadcast_in_dim3A_169 = arith.constant 0.000000e+00 : f32
    %broadcast_in_dim3A_170 = vector.broadcast %broadcast_in_dim3A_169 : f32 to vector<16xf32>
    %swap3A_171 = arith.constant 320 : index
    %swap3A_172 = tpu.vector_load %arg6[%swap3A_171] {strides = array<i32>} : memref<640xf32, #tpu.memory_space<vmem>>, vector<16xf32>,
    %swap3A_173 = vector.shape_cast %swap3A_172 : vector<16xf32> to vector<16xf32>
    %swap3A_174 = vector.shape_cast %broadcast_in_dim3A_170 : vector<16xf32> to vector<16xf32>
    tpu.vector_store %arg6[%swap3A_171], %swap3A_174 {strides = array<i32>} : memref<640xf32, #tpu.memory_space<vmem>>, vector<16xf32>,
    %broadcast_in_dim3A_175 = arith.constant 0.000000e+00 : f32
    %broadcast_in_dim3A_176 = vector.broadcast %broadcast_in_dim3A_175 : f32 to vector<16xf32>
    %swap3A_177 = arith.constant 336 : index
    %swap3A_178 = tpu.vector_load %arg6[%swap3A_177] {strides = array<i32>} : memref<640xf32, #tpu.memory_space<vmem>>, vector<16xf32>,
    %swap3A_179 = vector.shape_cast %swap3A_178 : vector<16xf32> to vector<16xf32>
    %swap3A_180 = vector.shape_cast %broadcast_in_dim3A_176 : vector<16xf32> to vector<16xf32>
    tpu.vector_store %arg6[%swap3A_177], %swap3A_180 {strides = array<i32>} : memref<640xf32, #tpu.memory_space<vmem>>, vector<16xf32>,
    %broadcast_in_dim3A_181 = arith.constant 0.000000e+00 : f32
    %broadcast_in_dim3A_182 = vector.broadcast %broadcast_in_dim3A_181 : f32 to vector<16xf32>
    %swap3A_183 = arith.constant 352 : index
    %swap3A_184 = tpu.vector_load %arg6[%swap3A_183] {strides = array<i32>} : memref<640xf32, #tpu.memory_space<vmem>>, vector<16xf32>,
    %swap3A_185 = vector.shape_cast %swap3A_184 : vector<16xf32> to vector<16xf32>
    %swap3A_186 = vector.shape_cast %broadcast_in_dim3A_182 : vector<16xf32> to vector<16xf32>
    tpu.vector_store %arg6[%swap3A_183], %swap3A_186 {strides = array<i32>} : memref<640xf32, #tpu.memory_space<vmem>>, vector<16xf32>,
    %broadcast_in_dim3A_187 = arith.constant 0.000000e+00 : f32
    %broadcast_in_dim3A_188 = vector.broadcast %broadcast_in_dim3A_187 : f32 to vector<16xf32>
    %swap3A_189 = arith.constant 368 : index
    %swap3A_190 = tpu.vector_load %arg6[%swap3A_189] {strides = array<i32>} : memref<640xf32, #tpu.memory_space<vmem>>, vector<16xf32>,
    %swap3A_191 = vector.shape_cast %swap3A_190 : vector<16xf32> to vector<16xf32>
    %swap3A_192 = vector.shape_cast %broadcast_in_dim3A_188 : vector<16xf32> to vector<16xf32>
    tpu.vector_store %arg6[%swap3A_189], %swap3A_192 {strides = array<i32>} : memref<640xf32, #tpu.memory_space<vmem>>, vector<16xf32>,
    %broadcast_in_dim3A_193 = arith.constant 0.000000e+00 : f32
    %broadcast_in_dim3A_194 = vector.broadcast %broadcast_in_dim3A_193 : f32 to vector<16xf32>
    %swap3A_195 = arith.constant 384 : index
    %swap3A_196 = tpu.vector_load %arg6[%swap3A_195] {strides = array<i32>} : memref<640xf32, #tpu.memory_space<vmem>>, vector<16xf32>,
    %swap3A_197 = vector.shape_cast %swap3A_196 : vector<16xf32> to vector<16xf32>
    %swap3A_198 = vector.shape_cast %broadcast_in_dim3A_194 : vector<16xf32> to vector<16xf32>
    tpu.vector_store %arg6[%swap3A_195], %swap3A_198 {strides = array<i32>} : memref<640xf32, #tpu.memory_space<vmem>>, vector<16xf32>,
    %broadcast_in_dim3A_199 = arith.constant 0.000000e+00 : f32
    %broadcast_in_dim3A_200 = vector.broadcast %broadcast_in_dim3A_199 : f32 to vector<16xf32>
    %swap3A_201 = arith.constant 400 : index
    %swap3A_202 = tpu.vector_load %arg6[%swap3A_201] {strides = array<i32>} : memref<640xf32, #tpu.memory_space<vmem>>, vector<16xf32>,
    %swap3A_203 = vector.shape_cast %swap3A_202 : vector<16xf32> to vector<16xf32>
    %swap3A_204 = vector.shape_cast %broadcast_in_dim3A_200 : vector<16xf32> to vector<16xf32>
    tpu.vector_store %arg6[%swap3A_201], %swap3A_204 {strides = array<i32>} : memref<640xf32, #tpu.memory_space<vmem>>, vector<16xf32>,
    %broadcast_in_dim3A_205 = arith.constant 0.000000e+00 : f32
    %broadcast_in_dim3A_206 = vector.broadcast %broadcast_in_dim3A_205 : f32 to vector<16xf32>
    %swap3A_207 = arith.constant 416 : index
    %swap3A_208 = tpu.vector_load %arg6[%swap3A_207] {strides = array<i32>} : memref<640xf32, #tpu.memory_space<vmem>>, vector<16xf32>,
    %swap3A_209 = vector.shape_cast %swap3A_208 : vector<16xf32> to vector<16xf32>
    %swap3A_210 = vector.shape_cast %broadcast_in_dim3A_206 : vector<16xf32> to vector<16xf32>
    tpu.vector_store %arg6[%swap3A_207], %swap3A_210 {strides = array<i32>} : memref<640xf32, #tpu.memory_space<vmem>>, vector<16xf32>,
    %broadcast_in_dim3A_211 = arith.constant 0.000000e+00 : f32
    %broadcast_in_dim3A_212 = vector.broadcast %broadcast_in_dim3A_211 : f32 to vector<16xf32>
    %swap3A_213 = arith.constant 432 : index
    %swap3A_214 = tpu.vector_load %arg6[%swap3A_213] {strides = array<i32>} : memref<640xf32, #tpu.memory_space<vmem>>, vector<16xf32>,
    %swap3A_215 = vector.shape_cast %swap3A_214 : vector<16xf32> to vector<16xf32>
    %swap3A_216 = vector.shape_cast %broadcast_in_dim3A_212 : vector<16xf32> to vector<16xf32>
    tpu.vector_store %arg6[%swap3A_213], %swap3A_216 {strides = array<i32>} : memref<640xf32, #tpu.memory_space<vmem>>, vector<16xf32>,
    %broadcast_in_dim3A_217 = arith.constant 0.000000e+00 : f32
    %broadcast_in_dim3A_218 = vector.broadcast %broadcast_in_dim3A_217 : f32 to vector<16xf32>
    %swap3A_219 = arith.constant 448 : index
    %swap3A_220 = tpu.vector_load %arg6[%swap3A_219] {strides = array<i32>} : memref<640xf32, #tpu.memory_space<vmem>>, vector<16xf32>,
    %swap3A_221 = vector.shape_cast %swap3A_220 : vector<16xf32> to vector<16xf32>
    %swap3A_222 = vector.shape_cast %broadcast_in_dim3A_218 : vector<16xf32> to vector<16xf32>
    tpu.vector_store %arg6[%swap3A_219], %swap3A_222 {strides = array<i32>} : memref<640xf32, #tpu.memory_space<vmem>>, vector<16xf32>,
    %broadcast_in_dim3A_223 = arith.constant 0.000000e+00 : f32
    %broadcast_in_dim3A_224 = vector.broadcast %broadcast_in_dim3A_223 : f32 to vector<16xf32>
    %swap3A_225 = arith.constant 464 : index
    %swap3A_226 = tpu.vector_load %arg6[%swap3A_225] {strides = array<i32>} : memref<640xf32, #tpu.memory_space<vmem>>, vector<16xf32>,
    %swap3A_227 = vector.shape_cast %swap3A_226 : vector<16xf32> to vector<16xf32>
    %swap3A_228 = vector.shape_cast %broadcast_in_dim3A_224 : vector<16xf32> to vector<16xf32>
    tpu.vector_store %arg6[%swap3A_225], %swap3A_228 {strides = array<i32>} : memref<640xf32, #tpu.memory_space<vmem>>, vector<16xf32>,
    %broadcast_in_dim3A_229 = arith.constant 0.000000e+00 : f32
    %broadcast_in_dim3A_230 = vector.broadcast %broadcast_in_dim3A_229 : f32 to vector<16xf32>
    %swap3A_231 = arith.constant 480 : index
    %swap3A_232 = tpu.vector_load %arg6[%swap3A_231] {strides = array<i32>} : memref<640xf32, #tpu.memory_space<vmem>>, vector<16xf32>,
    %swap3A_233 = vector.shape_cast %swap3A_232 : vector<16xf32> to vector<16xf32>
    %swap3A_234 = vector.shape_cast %broadcast_in_dim3A_230 : vector<16xf32> to vector<16xf32>
    tpu.vector_store %arg6[%swap3A_231], %swap3A_234 {strides = array<i32>} : memref<640xf32, #tpu.memory_space<vmem>>, vector<16xf32>,
    %broadcast_in_dim3A_235 = arith.constant 0.000000e+00 : f32
    %broadcast_in_dim3A_236 = vector.broadcast %broadcast_in_dim3A_235 : f32 to vector<16xf32>
    %swap3A_237 = arith.constant 496 : index
    %swap3A_238 = tpu.vector_load %arg6[%swap3A_237] {strides = array<i32>} : memref<640xf32, #tpu.memory_space<vmem>>, vector<16xf32>,
    %swap3A_239 = vector.shape_cast %swap3A_238 : vector<16xf32> to vector<16xf32>
    %swap3A_240 = vector.shape_cast %broadcast_in_dim3A_236 : vector<16xf32> to vector<16xf32>
    tpu.vector_store %arg6[%swap3A_237], %swap3A_240 {strides = array<i32>} : memref<640xf32, #tpu.memory_space<vmem>>, vector<16xf32>,
    %broadcast_in_dim3A_241 = arith.constant 0.000000e+00 : f32
    %broadcast_in_dim3A_242 = vector.broadcast %broadcast_in_dim3A_241 : f32 to vector<16xf32>
    %swap3A_243 = arith.constant 512 : index
    %swap3A_244 = tpu.vector_load %arg6[%swap3A_243] {strides = array<i32>} : memref<640xf32, #tpu.memory_space<vmem>>, vector<16xf32>,
    %swap3A_245 = vector.shape_cast %swap3A_244 : vector<16xf32> to vector<16xf32>
    %swap3A_246 = vector.shape_cast %broadcast_in_dim3A_242 : vector<16xf32> to vector<16xf32>
    tpu.vector_store %arg6[%swap3A_243], %swap3A_246 {strides = array<i32>} : memref<640xf32, #tpu.memory_space<vmem>>, vector<16xf32>,
    %broadcast_in_dim3A_247 = arith.constant 0.000000e+00 : f32
    %broadcast_in_dim3A_248 = vector.broadcast %broadcast_in_dim3A_247 : f32 to vector<16xf32>
    %swap3A_249 = arith.constant 528 : index
    %swap3A_250 = tpu.vector_load %arg6[%swap3A_249] {strides = array<i32>} : memref<640xf32, #tpu.memory_space<vmem>>, vector<16xf32>,
    %swap3A_251 = vector.shape_cast %swap3A_250 : vector<16xf32> to vector<16xf32>
    %swap3A_252 = vector.shape_cast %broadcast_in_dim3A_248 : vector<16xf32> to vector<16xf32>
    tpu.vector_store %arg6[%swap3A_249], %swap3A_252 {strides = array<i32>} : memref<640xf32, #tpu.memory_space<vmem>>, vector<16xf32>,
    %broadcast_in_dim3A_253 = arith.constant 0.000000e+00 : f32
    %broadcast_in_dim3A_254 = vector.broadcast %broadcast_in_dim3A_253 : f32 to vector<16xf32>
    %swap3A_255 = arith.constant 544 : index
    %swap3A_256 = tpu.vector_load %arg6[%swap3A_255] {strides = array<i32>} : memref<640xf32, #tpu.memory_space<vmem>>, vector<16xf32>,
    %swap3A_257 = vector.shape_cast %swap3A_256 : vector<16xf32> to vector<16xf32>
    %swap3A_258 = vector.shape_cast %broadcast_in_dim3A_254 : vector<16xf32> to vector<16xf32>
    tpu.vector_store %arg6[%swap3A_255], %swap3A_258 {strides = array<i32>} : memref<640xf32, #tpu.memory_space<vmem>>, vector<16xf32>,
    %broadcast_in_dim3A_259 = arith.constant 0.000000e+00 : f32
    %broadcast_in_dim3A_260 = vector.broadcast %broadcast_in_dim3A_259 : f32 to vector<16xf32>
    %swap3A_261 = arith.constant 560 : index
    %swap3A_262 = tpu.vector_load %arg6[%swap3A_261] {strides = array<i32>} : memref<640xf32, #tpu.memory_space<vmem>>, vector<16xf32>,
    %swap3A_263 = vector.shape_cast %swap3A_262 : vector<16xf32> to vector<16xf32>
    %swap3A_264 = vector.shape_cast %broadcast_in_dim3A_260 : vector<16xf32> to vector<16xf32>
    tpu.vector_store %arg6[%swap3A_261], %swap3A_264 {strides = array<i32>} : memref<640xf32, #tpu.memory_space<vmem>>, vector<16xf32>,
    %broadcast_in_dim3A_265 = arith.constant 0.000000e+00 : f32
    %broadcast_in_dim3A_266 = vector.broadcast %broadcast_in_dim3A_265 : f32 to vector<16xf32>
    %swap3A_267 = arith.constant 576 : index
    %swap3A_268 = tpu.vector_load %arg6[%swap3A_267] {strides = array<i32>} : memref<640xf32, #tpu.memory_space<vmem>>, vector<16xf32>,
    %swap3A_269 = vector.shape_cast %swap3A_268 : vector<16xf32> to vector<16xf32>
    %swap3A_270 = vector.shape_cast %broadcast_in_dim3A_266 : vector<16xf32> to vector<16xf32>
    tpu.vector_store %arg6[%swap3A_267], %swap3A_270 {strides = array<i32>} : memref<640xf32, #tpu.memory_space<vmem>>, vector<16xf32>,
    %broadcast_in_dim3A_271 = arith.constant 0.000000e+00 : f32
    %broadcast_in_dim3A_272 = vector.broadcast %broadcast_in_dim3A_271 : f32 to vector<16xf32>
    %swap3A_273 = arith.constant 592 : index
    %swap3A_274 = tpu.vector_load %arg6[%swap3A_273] {strides = array<i32>} : memref<640xf32, #tpu.memory_space<vmem>>, vector<16xf32>,
    %swap3A_275 = vector.shape_cast %swap3A_274 : vector<16xf32> to vector<16xf32>
    %swap3A_276 = vector.shape_cast %broadcast_in_dim3A_272 : vector<16xf32> to vector<16xf32>
    tpu.vector_store %arg6[%swap3A_273], %swap3A_276 {strides = array<i32>} : memref<640xf32, #tpu.memory_space<vmem>>, vector<16xf32>,
    %broadcast_in_dim3A_277 = arith.constant 0.000000e+00 : f32
    %broadcast_in_dim3A_278 = vector.broadcast %broadcast_in_dim3A_277 : f32 to vector<16xf32>
    %swap3A_279 = arith.constant 608 : index
    %swap3A_280 = tpu.vector_load %arg6[%swap3A_279] {strides = array<i32>} : memref<640xf32, #tpu.memory_space<vmem>>, vector<16xf32>,
    %swap3A_281 = vector.shape_cast %swap3A_280 : vector<16xf32> to vector<16xf32>
    %swap3A_282 = vector.shape_cast %broadcast_in_dim3A_278 : vector<16xf32> to vector<16xf32>
    tpu.vector_store %arg6[%swap3A_279], %swap3A_282 {strides = array<i32>} : memref<640xf32, #tpu.memory_space<vmem>>, vector<16xf32>,
    %broadcast_in_dim3A_283 = arith.constant 0.000000e+00 : f32
    %broadcast_in_dim3A_284 = vector.broadcast %broadcast_in_dim3A_283 : f32 to vector<16xf32>
    %swap3A_285 = arith.constant 624 : index
    %swap3A_286 = tpu.vector_load %arg6[%swap3A_285] {strides = array<i32>} : memref<640xf32, #tpu.memory_space<vmem>>, vector<16xf32>,
    %swap3A_287 = vector.shape_cast %swap3A_286 : vector<16xf32> to vector<16xf32>
    %swap3A_288 = vector.shape_cast %broadcast_in_dim3A_284 : vector<16xf32> to vector<16xf32>
    tpu.vector_store %arg6[%swap3A_285], %swap3A_288 {strides = array<i32>} : memref<640xf32, #tpu.memory_space<vmem>>, vector<16xf32>,
    %mul3A_289 = arith.constant 80 : i32
    %mul3A_290 = arith.muli %add3A, %mul3A_289 : i32
    %dma_start3A = arith.constant 0 : i32
    %dma_start3A_291 = tpu.memref_slice %arg2[%mul3A_290, %dma_start3A] : memref<2560x128xi32, #tpu.memory_space<hbm>> -> memref<80x128xi32, #tpu.memory_space<hbm>>
    %dma_start3A_292 = arith.constant 0 : i32
    %dma_start3A_293 = tpu.memref_slice %arg2[%mul3A_290, %dma_start3A_292] : memref<2560x128xi32, #tpu.memory_space<hbm>> -> memref<80x128xi32, #tpu.memory_space<hbm>>
    tpu.enqueue_dma source(%dma_start3A_293 : memref<80x128xi32, #tpu.memory_space<hbm>>) target(%arg4 : memref<80x128xi32, #tpu.memory_space<vmem>>) target_semaphore(%arg8 : memref<!tpu.dma_semaphore, #tpu.memory_space<semaphore_mem>>)
    %mul3A_294 = arith.constant 640 : i32
    %mul3A_295 = arith.muli %arg1, %mul3A_294 : i32
    "tpu.region"() ({
      %run_scoped3A = tpu.sem_alloc : memref<!tpu.dma_semaphore, #tpu.memory_space<semaphore_mem>>
      %dma_start3A_331 = tpu.memref_slice %arg7[%mul3A_295] : memref<10240xf32, #tpu.memory_space<vmem_shared>> -> memref<640xf32, #tpu.memory_space<vmem_shared>>
      %dma_start3A_332 = tpu.memref_slice %arg7[%mul3A_295] : memref<10240xf32, #tpu.memory_space<vmem_shared>> -> memref<640xf32, #tpu.memory_space<vmem_shared>>
      tpu.enqueue_dma source(%arg6 : memref<640xf32, #tpu.memory_space<vmem>>) target(%dma_start3A_332 : memref<640xf32, #tpu.memory_space<vmem_shared>>) target_semaphore(%run_scoped3A : memref<!tpu.dma_semaphore, #tpu.memory_space<semaphore_mem>>)
      %dma_wait3A_333 = tpu.memref_slice %arg7[%mul3A_295] : memref<10240xf32, #tpu.memory_space<vmem_shared>> -> memref<640xf32, #tpu.memory_space<vmem_shared>>
      %dma_wait3A_334 = tpu.memref_slice %arg7[%mul3A_295] : memref<10240xf32, #tpu.memory_space<vmem_shared>> -> memref<640xf32, #tpu.memory_space<vmem_shared>>
      tpu.wait_dma2 semaphore(%run_scoped3A : memref<!tpu.dma_semaphore, #tpu.memory_space<semaphore_mem>>) src(%arg6 : memref<640xf32, #tpu.memory_space<vmem>>) dst(%dma_wait3A_334 : memref<640xf32, #tpu.memory_space<vmem_shared>>)
      tpu.yield
    }) : () -> ()
    %dma_wait3A = arith.constant 0 : i32
    %dma_wait3A_296 = tpu.memref_slice %arg2[%mul3A_290, %dma_wait3A] : memref<2560x128xi32, #tpu.memory_space<hbm>> -> memref<80x128xi32, #tpu.memory_space<hbm>>
    %dma_wait3A_297 = arith.constant 0 : i32
    %dma_wait3A_298 = tpu.memref_slice %arg2[%mul3A_290, %dma_wait3A_297] : memref<2560x128xi32, #tpu.memory_space<hbm>> -> memref<80x128xi32, #tpu.memory_space<hbm>>
    tpu.wait_dma2 semaphore(%arg8 : memref<!tpu.dma_semaphore, #tpu.memory_space<semaphore_mem>>) src(%dma_wait3A_298 : memref<80x128xi32, #tpu.memory_space<hbm>>) dst(%arg4 : memref<80x128xi32, #tpu.memory_space<vmem>>)
    %barrier3A = arith.constant 0 : index
    tpu.barrier barrier_id(%barrier3A)
    %jit3A_299 = arith.constant 4 : i32
    %div3A = arith.divsi %select_n3A, %jit3A_299 : i32
    %sign3A = arith.constant 0 : i32
    %sign3A_300 = arith.cmpi sgt, %select_n3A, %sign3A : i32
    %sign3A_301 = arith.extui %sign3A_300 : i1 to i32
    %sign3A_302 = arith.constant 0 : i32
    %sign3A_303 = arith.cmpi slt, %select_n3A, %sign3A_302 : i32
    %sign3A_304 = arith.extui %sign3A_303 : i1 to i32
    %sign3A_305 = arith.subi %sign3A_301, %sign3A_304 : i32
    %sign3A_306 = arith.constant 0 : i32
    %sign3A_307 = arith.cmpi sgt, %jit3A_299, %sign3A_306 : i32
    %sign3A_308 = arith.extui %sign3A_307 : i1 to i32
    %sign3A_309 = arith.constant 0 : i32
    %sign3A_310 = arith.cmpi slt, %jit3A_299, %sign3A_309 : i32
    %sign3A_311 = arith.extui %sign3A_310 : i1 to i32
    %sign3A_312 = arith.subi %sign3A_308, %sign3A_311 : i32
    %ne3A = arith.cmpi ne, %sign3A_305, %sign3A_312 : i32
    %rem3A = arith.remsi %select_n3A, %jit3A_299 : i32
    %ne3A_313 = arith.constant 0 : i32
    %ne3A_314 = arith.cmpi ne, %rem3A, %ne3A_313 : i32
    %and3A = arith.andi %ne3A, %ne3A_314 : i1
    %sub3A = arith.constant 1 : i32
    %sub3A_315 = arith.subi %div3A, %sub3A : i32
    %select_n3A_316 = arith.select %and3A, %sub3A_315, %div3A : i32
    %while3A = arith.constant 0 : i32
    %while3A_317 = arith.constant 0 : i32
    %while3A_318 = arith.subi %select_n3A_316, %while3A : i32
    %while3A_319 = arith.addi %while3A, %while3A_318 : i32
    %while3A_320 = arith.constant 1 : i32
    %while3A_321 = arith.divsi %while3A_318, %while3A_320 : i32
    %while3A_322 = arith.muli %while3A_321, %while3A_320 : i32
    %while3A_323 = arith.addi %while3A, %while3A_322 : i32
    %while3A_324 = arith.constant 1 : i32
    %while3A_325 = scf.for %while3A_331 = %while3A to %while3A_323 step %while3A_324 iter_args(%while3A_332 = %while3A_317) -> (i32)  : i32 {
      %mul3A_333 = arith.constant 4 : i32
      %mul3A_334 = arith.muli %while3A_331, %mul3A_333 : i32
      %add3A_335 = arith.constant 0 : i32
      %add3A_336 = arith.addi %mul3A_334, %add3A_335 : i32
      %dma_start3A_337 = arith.constant 0 : i32
      %dma_start3A_338 = tpu.memref_slice %arg4[%add3A_336, %dma_start3A_337] : memref<80x128xi32, #tpu.memory_space<vmem>> -> memref<1x128xi32, #tpu.memory_space<vmem>>
      %dma_start3A_339 = tpu.memref_squeeze %dma_start3A_338 : memref<1x128xi32, #tpu.memory_space<vmem>> -> memref<128xi32, #tpu.memory_space<vmem>>
      %dma_start3A_340 = arith.constant 0 : i32
      %dma_start3A_341 = tpu.memref_slice %arg7[%dma_start3A_340] : memref<10240xf32, #tpu.memory_space<vmem_shared>> -> memref<10240xf32, #tpu.memory_space<vmem_shared>>
      tpu.enqueue_indirect_dma source(%arg5 : memref<128xf32, #tpu.memory_space<vmem>>) target(%dma_start3A_341 : memref<10240xf32, #tpu.memory_space<vmem_shared>>) offsets(%dma_start3A_339 : memref<128xi32, #tpu.memory_space<vmem>>) semaphore(%arg9 : memref<!tpu.dma_semaphore, #tpu.memory_space<semaphore_mem>>) {add = true}
      %mul3A_342 = arith.constant 4 : i32
      %mul3A_343 = arith.muli %while3A_331, %mul3A_342 : i32
      %add3A_344 = arith.constant 1 : i32
      %add3A_345 = arith.addi %mul3A_343, %add3A_344 : i32
      %dma_start3A_346 = arith.constant 0 : i32
      %dma_start3A_347 = tpu.memref_slice %arg4[%add3A_345, %dma_start3A_346] : memref<80x128xi32, #tpu.memory_space<vmem>> -> memref<1x128xi32, #tpu.memory_space<vmem>>
      %dma_start3A_348 = tpu.memref_squeeze %dma_start3A_347 : memref<1x128xi32, #tpu.memory_space<vmem>> -> memref<128xi32, #tpu.memory_space<vmem>>
      %dma_start3A_349 = arith.constant 0 : i32
      %dma_start3A_350 = tpu.memref_slice %arg7[%dma_start3A_349] : memref<10240xf32, #tpu.memory_space<vmem_shared>> -> memref<10240xf32, #tpu.memory_space<vmem_shared>>
      tpu.enqueue_indirect_dma source(%arg5 : memref<128xf32, #tpu.memory_space<vmem>>) target(%dma_start3A_350 : memref<10240xf32, #tpu.memory_space<vmem_shared>>) offsets(%dma_start3A_348 : memref<128xi32, #tpu.memory_space<vmem>>) semaphore(%arg9 : memref<!tpu.dma_semaphore, #tpu.memory_space<semaphore_mem>>) {add = true}
      %mul3A_351 = arith.constant 4 : i32
      %mul3A_352 = arith.muli %while3A_331, %mul3A_351 : i32
      %add3A_353 = arith.constant 2 : i32
      %add3A_354 = arith.addi %mul3A_352, %add3A_353 : i32
      %dma_start3A_355 = arith.constant 0 : i32
      %dma_start3A_356 = tpu.memref_slice %arg4[%add3A_354, %dma_start3A_355] : memref<80x128xi32, #tpu.memory_space<vmem>> -> memref<1x128xi32, #tpu.memory_space<vmem>>
      %dma_start3A_357 = tpu.memref_squeeze %dma_start3A_356 : memref<1x128xi32, #tpu.memory_space<vmem>> -> memref<128xi32, #tpu.memory_space<vmem>>
      %dma_start3A_358 = arith.constant 0 : i32
      %dma_start3A_359 = tpu.memref_slice %arg7[%dma_start3A_358] : memref<10240xf32, #tpu.memory_space<vmem_shared>> -> memref<10240xf32, #tpu.memory_space<vmem_shared>>
      tpu.enqueue_indirect_dma source(%arg5 : memref<128xf32, #tpu.memory_space<vmem>>) target(%dma_start3A_359 : memref<10240xf32, #tpu.memory_space<vmem_shared>>) offsets(%dma_start3A_357 : memref<128xi32, #tpu.memory_space<vmem>>) semaphore(%arg9 : memref<!tpu.dma_semaphore, #tpu.memory_space<semaphore_mem>>) {add = true}
      %mul3A_360 = arith.constant 4 : i32
      %mul3A_361 = arith.muli %while3A_331, %mul3A_360 : i32
      %add3A_362 = arith.constant 3 : i32
      %add3A_363 = arith.addi %mul3A_361, %add3A_362 : i32
      %dma_start3A_364 = arith.constant 0 : i32
      %dma_start3A_365 = tpu.memref_slice %arg4[%add3A_363, %dma_start3A_364] : memref<80x128xi32, #tpu.memory_space<vmem>> -> memref<1x128xi32, #tpu.memory_space<vmem>>
      %dma_start3A_366 = tpu.memref_squeeze %dma_start3A_365 : memref<1x128xi32, #tpu.memory_space<vmem>> -> memref<128xi32, #tpu.memory_space<vmem>>
      %dma_start3A_367 = arith.constant 0 : i32
      %dma_start3A_368 = tpu.memref_slice %arg7[%dma_start3A_367] : memref<10240xf32, #tpu.memory_space<vmem_shared>> -> memref<10240xf32, #tpu.memory_space<vmem_shared>>
      tpu.enqueue_indirect_dma source(%arg5 : memref<128xf32, #tpu.memory_space<vmem>>) target(%dma_start3A_368 : memref<10240xf32, #tpu.memory_space<vmem_shared>>) offsets(%dma_start3A_366 : memref<128xi32, #tpu.memory_space<vmem>>) semaphore(%arg9 : memref<!tpu.dma_semaphore, #tpu.memory_space<semaphore_mem>>) {add = true}
      %dma_wait3A_369 = arith.constant 0 : i32
      %dma_wait3A_370 = tpu.memref_slice %arg4[%add3A_336, %dma_wait3A_369] : memref<80x128xi32, #tpu.memory_space<vmem>> -> memref<1x128xi32, #tpu.memory_space<vmem>>
      %dma_wait3A_371 = tpu.memref_squeeze %dma_wait3A_370 : memref<1x128xi32, #tpu.memory_space<vmem>> -> memref<128xi32, #tpu.memory_space<vmem>>
      %dma_wait3A_372 = arith.constant 0 : i32
      %dma_wait3A_373 = tpu.memref_slice %arg7[%dma_wait3A_372] : memref<10240xf32, #tpu.memory_space<vmem_shared>> -> memref<10240xf32, #tpu.memory_space<vmem_shared>>
      tpu.wait_indirect_dma semaphore(%arg9 : memref<!tpu.dma_semaphore, #tpu.memory_space<semaphore_mem>>) src(%arg5 : memref<128xf32, #tpu.memory_space<vmem>>) dst(%dma_wait3A_373 : memref<10240xf32, #tpu.memory_space<vmem_shared>>)
      %dma_wait3A_374 = arith.constant 0 : i32
      %dma_wait3A_375 = tpu.memref_slice %arg4[%add3A_345, %dma_wait3A_374] : memref<80x128xi32, #tpu.memory_space<vmem>> -> memref<1x128xi32, #tpu.memory_space<vmem>>
      %dma_wait3A_376 = tpu.memref_squeeze %dma_wait3A_375 : memref<1x128xi32, #tpu.memory_space<vmem>> -> memref<128xi32, #tpu.memory_space<vmem>>
      %dma_wait3A_377 = arith.constant 0 : i32
      %dma_wait3A_378 = tpu.memref_slice %arg7[%dma_wait3A_377] : memref<10240xf32, #tpu.memory_space<vmem_shared>> -> memref<10240xf32, #tpu.memory_space<vmem_shared>>
      tpu.wait_indirect_dma semaphore(%arg9 : memref<!tpu.dma_semaphore, #tpu.memory_space<semaphore_mem>>) src(%arg5 : memref<128xf32, #tpu.memory_space<vmem>>) dst(%dma_wait3A_378 : memref<10240xf32, #tpu.memory_space<vmem_shared>>)
      %dma_wait3A_379 = arith.constant 0 : i32
      %dma_wait3A_380 = tpu.memref_slice %arg4[%add3A_354, %dma_wait3A_379] : memref<80x128xi32, #tpu.memory_space<vmem>> -> memref<1x128xi32, #tpu.memory_space<vmem>>
      %dma_wait3A_381 = tpu.memref_squeeze %dma_wait3A_380 : memref<1x128xi32, #tpu.memory_space<vmem>> -> memref<128xi32, #tpu.memory_space<vmem>>
      %dma_wait3A_382 = arith.constant 0 : i32
      %dma_wait3A_383 = tpu.memref_slice %arg7[%dma_wait3A_382] : memref<10240xf32, #tpu.memory_space<vmem_shared>> -> memref<10240xf32, #tpu.memory_space<vmem_shared>>
      tpu.wait_indirect_dma semaphore(%arg9 : memref<!tpu.dma_semaphore, #tpu.memory_space<semaphore_mem>>) src(%arg5 : memref<128xf32, #tpu.memory_space<vmem>>) dst(%dma_wait3A_383 : memref<10240xf32, #tpu.memory_space<vmem_shared>>)
      %dma_wait3A_384 = arith.constant 0 : i32
      %dma_wait3A_385 = tpu.memref_slice %arg4[%add3A_363, %dma_wait3A_384] : memref<80x128xi32, #tpu.memory_space<vmem>> -> memref<1x128xi32, #tpu.memory_space<vmem>>
      %dma_wait3A_386 = tpu.memref_squeeze %dma_wait3A_385 : memref<1x128xi32, #tpu.memory_space<vmem>> -> memref<128xi32, #tpu.memory_space<vmem>>
      %dma_wait3A_387 = arith.constant 0 : i32
      %dma_wait3A_388 = tpu.memref_slice %arg7[%dma_wait3A_387] : memref<10240xf32, #tpu.memory_space<vmem_shared>> -> memref<10240xf32, #tpu.memory_space<vmem_shared>>
      tpu.wait_indirect_dma semaphore(%arg9 : memref<!tpu.dma_semaphore, #tpu.memory_space<semaphore_mem>>) src(%arg5 : memref<128xf32, #tpu.memory_space<vmem>>) dst(%dma_wait3A_388 : memref<10240xf32, #tpu.memory_space<vmem_shared>>)
      %while3A_389 = arith.constant 0 : i32
      scf.yield %while3A_389 : i32
    }
    %while3A_326 = arith.constant 1 : i32
    %while3A_327 = scf.for %while3A_331 = %while3A_323 to %while3A_319 step %while3A_326 iter_args(%while3A_332 = %while3A_325) -> (i32)  : i32 {
      %mul3A_333 = arith.constant 4 : i32
      %mul3A_334 = arith.muli %while3A_331, %mul3A_333 : i32
      %add3A_335 = arith.constant 0 : i32
      %add3A_336 = arith.addi %mul3A_334, %add3A_335 : i32
      %dma_start3A_337 = arith.constant 0 : i32
      %dma_start3A_338 = tpu.memref_slice %arg4[%add3A_336, %dma_start3A_337] : memref<80x128xi32, #tpu.memory_space<vmem>> -> memref<1x128xi32, #tpu.memory_space<vmem>>
      %dma_start3A_339 = tpu.memref_squeeze %dma_start3A_338 : memref<1x128xi32, #tpu.memory_space<vmem>> -> memref<128xi32, #tpu.memory_space<vmem>>
      %dma_start3A_340 = arith.constant 0 : i32
      %dma_start3A_341 = tpu.memref_slice %arg7[%dma_start3A_340] : memref<10240xf32, #tpu.memory_space<vmem_shared>> -> memref<10240xf32, #tpu.memory_space<vmem_shared>>
      tpu.enqueue_indirect_dma source(%arg5 : memref<128xf32, #tpu.memory_space<vmem>>) target(%dma_start3A_341 : memref<10240xf32, #tpu.memory_space<vmem_shared>>) offsets(%dma_start3A_339 : memref<128xi32, #tpu.memory_space<vmem>>) semaphore(%arg9 : memref<!tpu.dma_semaphore, #tpu.memory_space<semaphore_mem>>) {add = true}
      %mul3A_342 = arith.constant 4 : i32
      %mul3A_343 = arith.muli %while3A_331, %mul3A_342 : i32
      %add3A_344 = arith.constant 1 : i32
      %add3A_345 = arith.addi %mul3A_343, %add3A_344 : i32
      %dma_start3A_346 = arith.constant 0 : i32
      %dma_start3A_347 = tpu.memref_slice %arg4[%add3A_345, %dma_start3A_346] : memref<80x128xi32, #tpu.memory_space<vmem>> -> memref<1x128xi32, #tpu.memory_space<vmem>>
      %dma_start3A_348 = tpu.memref_squeeze %dma_start3A_347 : memref<1x128xi32, #tpu.memory_space<vmem>> -> memref<128xi32, #tpu.memory_space<vmem>>
      %dma_start3A_349 = arith.constant 0 : i32
      %dma_start3A_350 = tpu.memref_slice %arg7[%dma_start3A_349] : memref<10240xf32, #tpu.memory_space<vmem_shared>> -> memref<10240xf32, #tpu.memory_space<vmem_shared>>
      tpu.enqueue_indirect_dma source(%arg5 : memref<128xf32, #tpu.memory_space<vmem>>) target(%dma_start3A_350 : memref<10240xf32, #tpu.memory_space<vmem_shared>>) offsets(%dma_start3A_348 : memref<128xi32, #tpu.memory_space<vmem>>) semaphore(%arg9 : memref<!tpu.dma_semaphore, #tpu.memory_space<semaphore_mem>>) {add = true}
      %mul3A_351 = arith.constant 4 : i32
      %mul3A_352 = arith.muli %while3A_331, %mul3A_351 : i32
      %add3A_353 = arith.constant 2 : i32
      %add3A_354 = arith.addi %mul3A_352, %add3A_353 : i32
      %dma_start3A_355 = arith.constant 0 : i32
      %dma_start3A_356 = tpu.memref_slice %arg4[%add3A_354, %dma_start3A_355] : memref<80x128xi32, #tpu.memory_space<vmem>> -> memref<1x128xi32, #tpu.memory_space<vmem>>
      %dma_start3A_357 = tpu.memref_squeeze %dma_start3A_356 : memref<1x128xi32, #tpu.memory_space<vmem>> -> memref<128xi32, #tpu.memory_space<vmem>>
      %dma_start3A_358 = arith.constant 0 : i32
      %dma_start3A_359 = tpu.memref_slice %arg7[%dma_start3A_358] : memref<10240xf32, #tpu.memory_space<vmem_shared>> -> memref<10240xf32, #tpu.memory_space<vmem_shared>>
      tpu.enqueue_indirect_dma source(%arg5 : memref<128xf32, #tpu.memory_space<vmem>>) target(%dma_start3A_359 : memref<10240xf32, #tpu.memory_space<vmem_shared>>) offsets(%dma_start3A_357 : memref<128xi32, #tpu.memory_space<vmem>>) semaphore(%arg9 : memref<!tpu.dma_semaphore, #tpu.memory_space<semaphore_mem>>) {add = true}
      %mul3A_360 = arith.constant 4 : i32
      %mul3A_361 = arith.muli %while3A_331, %mul3A_360 : i32
      %add3A_362 = arith.constant 3 : i32
      %add3A_363 = arith.addi %mul3A_361, %add3A_362 : i32
      %dma_start3A_364 = arith.constant 0 : i32
      %dma_start3A_365 = tpu.memref_slice %arg4[%add3A_363, %dma_start3A_364] : memref<80x128xi32, #tpu.memory_space<vmem>> -> memref<1x128xi32, #tpu.memory_space<vmem>>
      %dma_start3A_366 = tpu.memref_squeeze %dma_start3A_365 : memref<1x128xi32, #tpu.memory_space<vmem>> -> memref<128xi32, #tpu.memory_space<vmem>>
      %dma_start3A_367 = arith.constant 0 : i32
      %dma_start3A_368 = tpu.memref_slice %arg7[%dma_start3A_367] : memref<10240xf32, #tpu.memory_space<vmem_shared>> -> memref<10240xf32, #tpu.memory_space<vmem_shared>>
      tpu.enqueue_indirect_dma source(%arg5 : memref<128xf32, #tpu.memory_space<vmem>>) target(%dma_start3A_368 : memref<10240xf32, #tpu.memory_space<vmem_shared>>) offsets(%dma_start3A_366 : memref<128xi32, #tpu.memory_space<vmem>>) semaphore(%arg9 : memref<!tpu.dma_semaphore, #tpu.memory_space<semaphore_mem>>) {add = true}
      %dma_wait3A_369 = arith.constant 0 : i32
      %dma_wait3A_370 = tpu.memref_slice %arg4[%add3A_336, %dma_wait3A_369] : memref<80x128xi32, #tpu.memory_space<vmem>> -> memref<1x128xi32, #tpu.memory_space<vmem>>
      %dma_wait3A_371 = tpu.memref_squeeze %dma_wait3A_370 : memref<1x128xi32, #tpu.memory_space<vmem>> -> memref<128xi32, #tpu.memory_space<vmem>>
      %dma_wait3A_372 = arith.constant 0 : i32
      %dma_wait3A_373 = tpu.memref_slice %arg7[%dma_wait3A_372] : memref<10240xf32, #tpu.memory_space<vmem_shared>> -> memref<10240xf32, #tpu.memory_space<vmem_shared>>
      tpu.wait_indirect_dma semaphore(%arg9 : memref<!tpu.dma_semaphore, #tpu.memory_space<semaphore_mem>>) src(%arg5 : memref<128xf32, #tpu.memory_space<vmem>>) dst(%dma_wait3A_373 : memref<10240xf32, #tpu.memory_space<vmem_shared>>)
      %dma_wait3A_374 = arith.constant 0 : i32
      %dma_wait3A_375 = tpu.memref_slice %arg4[%add3A_345, %dma_wait3A_374] : memref<80x128xi32, #tpu.memory_space<vmem>> -> memref<1x128xi32, #tpu.memory_space<vmem>>
      %dma_wait3A_376 = tpu.memref_squeeze %dma_wait3A_375 : memref<1x128xi32, #tpu.memory_space<vmem>> -> memref<128xi32, #tpu.memory_space<vmem>>
      %dma_wait3A_377 = arith.constant 0 : i32
      %dma_wait3A_378 = tpu.memref_slice %arg7[%dma_wait3A_377] : memref<10240xf32, #tpu.memory_space<vmem_shared>> -> memref<10240xf32, #tpu.memory_space<vmem_shared>>
      tpu.wait_indirect_dma semaphore(%arg9 : memref<!tpu.dma_semaphore, #tpu.memory_space<semaphore_mem>>) src(%arg5 : memref<128xf32, #tpu.memory_space<vmem>>) dst(%dma_wait3A_378 : memref<10240xf32, #tpu.memory_space<vmem_shared>>)
      %dma_wait3A_379 = arith.constant 0 : i32
      %dma_wait3A_380 = tpu.memref_slice %arg4[%add3A_354, %dma_wait3A_379] : memref<80x128xi32, #tpu.memory_space<vmem>> -> memref<1x128xi32, #tpu.memory_space<vmem>>
      %dma_wait3A_381 = tpu.memref_squeeze %dma_wait3A_380 : memref<1x128xi32, #tpu.memory_space<vmem>> -> memref<128xi32, #tpu.memory_space<vmem>>
      %dma_wait3A_382 = arith.constant 0 : i32
      %dma_wait3A_383 = tpu.memref_slice %arg7[%dma_wait3A_382] : memref<10240xf32, #tpu.memory_space<vmem_shared>> -> memref<10240xf32, #tpu.memory_space<vmem_shared>>
      tpu.wait_indirect_dma semaphore(%arg9 : memref<!tpu.dma_semaphore, #tpu.memory_space<semaphore_mem>>) src(%arg5 : memref<128xf32, #tpu.memory_space<vmem>>) dst(%dma_wait3A_383 : memref<10240xf32, #tpu.memory_space<vmem_shared>>)
      %dma_wait3A_384 = arith.constant 0 : i32
      %dma_wait3A_385 = tpu.memref_slice %arg4[%add3A_363, %dma_wait3A_384] : memref<80x128xi32, #tpu.memory_space<vmem>> -> memref<1x128xi32, #tpu.memory_space<vmem>>
      %dma_wait3A_386 = tpu.memref_squeeze %dma_wait3A_385 : memref<1x128xi32, #tpu.memory_space<vmem>> -> memref<128xi32, #tpu.memory_space<vmem>>
      %dma_wait3A_387 = arith.constant 0 : i32
      %dma_wait3A_388 = tpu.memref_slice %arg7[%dma_wait3A_387] : memref<10240xf32, #tpu.memory_space<vmem_shared>> -> memref<10240xf32, #tpu.memory_space<vmem_shared>>
      tpu.wait_indirect_dma semaphore(%arg9 : memref<!tpu.dma_semaphore, #tpu.memory_space<semaphore_mem>>) src(%arg5 : memref<128xf32, #tpu.memory_space<vmem>>) dst(%dma_wait3A_388 : memref<10240xf32, #tpu.memory_space<vmem_shared>>)
      %while3A_389 = arith.constant 0 : i32
      scf.yield %while3A_389 : i32
    }
    %barrier3A_328 = arith.constant 0 : index
    tpu.barrier barrier_id(%barrier3A_328)
    %eq3A = arith.constant 0 : i32
    %eq3A_329 = arith.cmpi eq, %arg1, %eq3A : i32
    %convert_element_type3A = arith.extui %eq3A_329 : i1 to i32
    %cond3A = arith.constant 0 : i32
    %cond3A_330 = arith.cmpi ne, %convert_element_type3A, %cond3A : i32
    scf.if %cond3A_330 {
      "tpu.region"() ({
        %run_scoped3A = tpu.sem_alloc : memref<!tpu.dma_semaphore, #tpu.memory_space<semaphore_mem>>
        %dma_start3A_331 = arith.constant 0 : i32
        %dma_start3A_332 = tpu.memref_slice %arg3[%arg0, %dma_start3A_331] : memref<2x10240xf32, #tpu.memory_space<hbm>> -> memref<1x10240xf32, #tpu.memory_space<hbm>>
        %dma_start3A_333 = tpu.memref_squeeze %dma_start3A_332 : memref<1x10240xf32, #tpu.memory_space<hbm>> -> memref<10240xf32, #tpu.memory_space<hbm>>
        tpu.enqueue_dma source(%arg7 : memref<10240xf32, #tpu.memory_space<vmem_shared>>) target(%dma_start3A_333 : memref<10240xf32, #tpu.memory_space<hbm>>) target_semaphore(%run_scoped3A : memref<!tpu.dma_semaphore, #tpu.memory_space<semaphore_mem>>)
        %dma_wait3A_334 = arith.constant 0 : i32
        %dma_wait3A_335 = tpu.memref_slice %arg3[%arg0, %dma_wait3A_334] : memref<2x10240xf32, #tpu.memory_space<hbm>> -> memref<1x10240xf32, #tpu.memory_space<hbm>>
        %dma_wait3A_336 = tpu.memref_squeeze %dma_wait3A_335 : memref<1x10240xf32, #tpu.memory_space<hbm>> -> memref<10240xf32, #tpu.memory_space<hbm>>
        tpu.wait_dma2 semaphore(%run_scoped3A : memref<!tpu.dma_semaphore, #tpu.memory_space<semaphore_mem>>) src(%arg7 : memref<10240xf32, #tpu.memory_space<vmem_shared>>) dst(%dma_wait3A_336 : memref<10240xf32, #tpu.memory_space<hbm>>)
        tpu.yield
      }) : () -> ()
    } else {
    }
    return
  }
}

#map = affine_map<(d0, d1) -> (0, 0)>
#map1 = affine_map<(d0, d1) -> (0, 0, 0)>
module attributes {stable_mosaic.version = 14 : i64} {
  func.func @k(%arg0: i32, %arg1: i32, %arg2: memref<10000x128xf32, #tpu.memory_space<hbm>>, %arg3: memref<2560x128xi32, #tpu.memory_space<hbm>>, %arg4: memref<2560x128xi32, #tpu.memory_space<hbm>>, %arg5: memref<2x10112x128xf32, #tpu.memory_space<hbm>>, %arg6: memref<40x128xi32, #tpu.memory_space<vmem>>, %arg7: memref<40x128xi32, #tpu.memory_space<vmem>>, %arg8: memref<128x128xf32, #tpu.memory_space<vmem>>, %arg9: memref<128x128xf32, #tpu.memory_space<vmem>>, %arg10: memref<10112x128xf32, #tpu.memory_space<vmem_shared>>, %arg11: memref<!tpu.dma_semaphore, #tpu.memory_space<semaphore_mem>>, %arg12: memref<!tpu.dma_semaphore, #tpu.memory_space<semaphore_mem>>, %arg13: memref<!tpu.dma_semaphore, #tpu.memory_space<semaphore_mem>>) attributes {dimension_semantics = [#tpu.dimension_semantics<core_parallel>, #tpu.dimension_semantics<subcore_parallel>], iteration_bounds = array<i64: 2, 16>, scalar_prefetch = 0 : i64, scratch_operands = 8 : i64, tpu.core_type = #tpu.core_type<sc_vector_subcore>, window_params = [{transform_indices = #map}, {transform_indices = #map}, {transform_indices = #map}, {transform_indices = #map1}]} {
    %mul3A = arith.constant 16 : i32
    %mul3A_0 = arith.muli %arg0, %mul3A : i32
    %add3A = arith.addi %mul3A_0, %arg1 : i32
    %scan3A = arith.constant 0 : i32
    %scan3A_1 = arith.constant 0 : i32
    %scan3A_2 = arith.constant 128 : i32
    %scan3A_3 = arith.addi %scan3A_1, %scan3A_2 : i32
    %scan3A_4 = arith.constant 1 : i32
    %scan3A_5 = scf.for %scan3A_76 = %scan3A_1 to %scan3A_3 step %scan3A_4 iter_args(%scan3A_77 = %scan3A) -> (i32)  : i32 {
      %broadcast_in_dim3A = arith.constant 0.000000e+00 : f32
      %broadcast_in_dim3A_78 = vector.broadcast %broadcast_in_dim3A : f32 to vector<16xf32>
      %swap3A = arith.index_cast %scan3A_76 : i32 to index
      %swap3A_79 = arith.constant 0 : index
      %swap3A_80 = tpu.vector_load %arg8[%swap3A, %swap3A_79] {strides = array<i32>} : memref<128x128xf32, #tpu.memory_space<vmem>>, vector<1x16xf32>,
      %swap3A_81 = vector.shape_cast %swap3A_80 : vector<1x16xf32> to vector<16xf32>
      %swap3A_82 = vector.shape_cast %broadcast_in_dim3A_78 : vector<16xf32> to vector<1x16xf32>
      tpu.vector_store %arg8[%swap3A, %swap3A_79], %swap3A_82 {strides = array<i32>} : memref<128x128xf32, #tpu.memory_space<vmem>>, vector<1x16xf32>,
      %broadcast_in_dim3A_83 = arith.constant 0.000000e+00 : f32
      %broadcast_in_dim3A_84 = vector.broadcast %broadcast_in_dim3A_83 : f32 to vector<16xf32>
      %swap3A_85 = arith.index_cast %scan3A_76 : i32 to index
      %swap3A_86 = arith.constant 16 : index
      %swap3A_87 = tpu.vector_load %arg8[%swap3A_85, %swap3A_86] {strides = array<i32>} : memref<128x128xf32, #tpu.memory_space<vmem>>, vector<1x16xf32>,
      %swap3A_88 = vector.shape_cast %swap3A_87 : vector<1x16xf32> to vector<16xf32>
      %swap3A_89 = vector.shape_cast %broadcast_in_dim3A_84 : vector<16xf32> to vector<1x16xf32>
      tpu.vector_store %arg8[%swap3A_85, %swap3A_86], %swap3A_89 {strides = array<i32>} : memref<128x128xf32, #tpu.memory_space<vmem>>, vector<1x16xf32>,
      %broadcast_in_dim3A_90 = arith.constant 0.000000e+00 : f32
      %broadcast_in_dim3A_91 = vector.broadcast %broadcast_in_dim3A_90 : f32 to vector<16xf32>
      %swap3A_92 = arith.index_cast %scan3A_76 : i32 to index
      %swap3A_93 = arith.constant 32 : index
      %swap3A_94 = tpu.vector_load %arg8[%swap3A_92, %swap3A_93] {strides = array<i32>} : memref<128x128xf32, #tpu.memory_space<vmem>>, vector<1x16xf32>,
      %swap3A_95 = vector.shape_cast %swap3A_94 : vector<1x16xf32> to vector<16xf32>
      %swap3A_96 = vector.shape_cast %broadcast_in_dim3A_91 : vector<16xf32> to vector<1x16xf32>
      tpu.vector_store %arg8[%swap3A_92, %swap3A_93], %swap3A_96 {strides = array<i32>} : memref<128x128xf32, #tpu.memory_space<vmem>>, vector<1x16xf32>,
      %broadcast_in_dim3A_97 = arith.constant 0.000000e+00 : f32
      %broadcast_in_dim3A_98 = vector.broadcast %broadcast_in_dim3A_97 : f32 to vector<16xf32>
      %swap3A_99 = arith.index_cast %scan3A_76 : i32 to index
      %swap3A_100 = arith.constant 48 : index
      %swap3A_101 = tpu.vector_load %arg8[%swap3A_99, %swap3A_100] {strides = array<i32>} : memref<128x128xf32, #tpu.memory_space<vmem>>, vector<1x16xf32>,
      %swap3A_102 = vector.shape_cast %swap3A_101 : vector<1x16xf32> to vector<16xf32>
      %swap3A_103 = vector.shape_cast %broadcast_in_dim3A_98 : vector<16xf32> to vector<1x16xf32>
      tpu.vector_store %arg8[%swap3A_99, %swap3A_100], %swap3A_103 {strides = array<i32>} : memref<128x128xf32, #tpu.memory_space<vmem>>, vector<1x16xf32>,
      %broadcast_in_dim3A_104 = arith.constant 0.000000e+00 : f32
      %broadcast_in_dim3A_105 = vector.broadcast %broadcast_in_dim3A_104 : f32 to vector<16xf32>
      %swap3A_106 = arith.index_cast %scan3A_76 : i32 to index
      %swap3A_107 = arith.constant 64 : index
      %swap3A_108 = tpu.vector_load %arg8[%swap3A_106, %swap3A_107] {strides = array<i32>} : memref<128x128xf32, #tpu.memory_space<vmem>>, vector<1x16xf32>,
      %swap3A_109 = vector.shape_cast %swap3A_108 : vector<1x16xf32> to vector<16xf32>
      %swap3A_110 = vector.shape_cast %broadcast_in_dim3A_105 : vector<16xf32> to vector<1x16xf32>
      tpu.vector_store %arg8[%swap3A_106, %swap3A_107], %swap3A_110 {strides = array<i32>} : memref<128x128xf32, #tpu.memory_space<vmem>>, vector<1x16xf32>,
      %broadcast_in_dim3A_111 = arith.constant 0.000000e+00 : f32
      %broadcast_in_dim3A_112 = vector.broadcast %broadcast_in_dim3A_111 : f32 to vector<16xf32>
      %swap3A_113 = arith.index_cast %scan3A_76 : i32 to index
      %swap3A_114 = arith.constant 80 : index
      %swap3A_115 = tpu.vector_load %arg8[%swap3A_113, %swap3A_114] {strides = array<i32>} : memref<128x128xf32, #tpu.memory_space<vmem>>, vector<1x16xf32>,
      %swap3A_116 = vector.shape_cast %swap3A_115 : vector<1x16xf32> to vector<16xf32>
      %swap3A_117 = vector.shape_cast %broadcast_in_dim3A_112 : vector<16xf32> to vector<1x16xf32>
      tpu.vector_store %arg8[%swap3A_113, %swap3A_114], %swap3A_117 {strides = array<i32>} : memref<128x128xf32, #tpu.memory_space<vmem>>, vector<1x16xf32>,
      %broadcast_in_dim3A_118 = arith.constant 0.000000e+00 : f32
      %broadcast_in_dim3A_119 = vector.broadcast %broadcast_in_dim3A_118 : f32 to vector<16xf32>
      %swap3A_120 = arith.index_cast %scan3A_76 : i32 to index
      %swap3A_121 = arith.constant 96 : index
      %swap3A_122 = tpu.vector_load %arg8[%swap3A_120, %swap3A_121] {strides = array<i32>} : memref<128x128xf32, #tpu.memory_space<vmem>>, vector<1x16xf32>,
      %swap3A_123 = vector.shape_cast %swap3A_122 : vector<1x16xf32> to vector<16xf32>
      %swap3A_124 = vector.shape_cast %broadcast_in_dim3A_119 : vector<16xf32> to vector<1x16xf32>
      tpu.vector_store %arg8[%swap3A_120, %swap3A_121], %swap3A_124 {strides = array<i32>} : memref<128x128xf32, #tpu.memory_space<vmem>>, vector<1x16xf32>,
      %broadcast_in_dim3A_125 = arith.constant 0.000000e+00 : f32
      %broadcast_in_dim3A_126 = vector.broadcast %broadcast_in_dim3A_125 : f32 to vector<16xf32>
      %swap3A_127 = arith.index_cast %scan3A_76 : i32 to index
      %swap3A_128 = arith.constant 112 : index
      %swap3A_129 = tpu.vector_load %arg8[%swap3A_127, %swap3A_128] {strides = array<i32>} : memref<128x128xf32, #tpu.memory_space<vmem>>, vector<1x16xf32>,
      %swap3A_130 = vector.shape_cast %swap3A_129 : vector<1x16xf32> to vector<16xf32>
      %swap3A_131 = vector.shape_cast %broadcast_in_dim3A_126 : vector<16xf32> to vector<1x16xf32>
      tpu.vector_store %arg8[%swap3A_127, %swap3A_128], %swap3A_131 {strides = array<i32>} : memref<128x128xf32, #tpu.memory_space<vmem>>, vector<1x16xf32>,
      %scan3A_132 = arith.constant 0 : i32
      scf.yield %scan3A_132 : i32
    }
    %scan3A_6 = arith.constant 128 : i32
    %mul3A_7 = arith.constant 632 : i32
    %mul3A_8 = arith.muli %arg1, %mul3A_7 : i32
    %add3A_9 = arith.constant 0 : i32
    %add3A_10 = arith.addi %mul3A_8, %add3A_9 : i32
    "tpu.region"() ({
      %run_scoped3A = tpu.sem_alloc : memref<!tpu.dma_semaphore, #tpu.memory_space<semaphore_mem>>
      %dma_start3A_76 = arith.constant 0 : i32
      %dma_start3A_77 = tpu.memref_slice %arg10[%add3A_10, %dma_start3A_76] : memref<10112x128xf32, #tpu.memory_space<vmem_shared>> -> memref<128x128xf32, #tpu.memory_space<vmem_shared>>
      %dma_start3A_78 = arith.constant 0 : i32
      %dma_start3A_79 = tpu.memref_slice %arg10[%add3A_10, %dma_start3A_78] : memref<10112x128xf32, #tpu.memory_space<vmem_shared>> -> memref<128x128xf32, #tpu.memory_space<vmem_shared>>
      tpu.enqueue_dma source(%arg8 : memref<128x128xf32, #tpu.memory_space<vmem>>) target(%dma_start3A_79 : memref<128x128xf32, #tpu.memory_space<vmem_shared>>) target_semaphore(%run_scoped3A : memref<!tpu.dma_semaphore, #tpu.memory_space<semaphore_mem>>)
      %dma_wait3A = arith.constant 0 : i32
      %dma_wait3A_80 = tpu.memref_slice %arg10[%add3A_10, %dma_wait3A] : memref<10112x128xf32, #tpu.memory_space<vmem_shared>> -> memref<128x128xf32, #tpu.memory_space<vmem_shared>>
      %dma_wait3A_81 = arith.constant 0 : i32
      %dma_wait3A_82 = tpu.memref_slice %arg10[%add3A_10, %dma_wait3A_81] : memref<10112x128xf32, #tpu.memory_space<vmem_shared>> -> memref<128x128xf32, #tpu.memory_space<vmem_shared>>
      tpu.wait_dma2 semaphore(%run_scoped3A : memref<!tpu.dma_semaphore, #tpu.memory_space<semaphore_mem>>) src(%arg8 : memref<128x128xf32, #tpu.memory_space<vmem>>) dst(%dma_wait3A_82 : memref<128x128xf32, #tpu.memory_space<vmem_shared>>)
      tpu.yield
    }) : () -> ()
    %mul3A_11 = arith.constant 632 : i32
    %mul3A_12 = arith.muli %arg1, %mul3A_11 : i32
    %add3A_13 = arith.constant 128 : i32
    %add3A_14 = arith.addi %mul3A_12, %add3A_13 : i32
    "tpu.region"() ({
      %run_scoped3A = tpu.sem_alloc : memref<!tpu.dma_semaphore, #tpu.memory_space<semaphore_mem>>
      %dma_start3A_76 = arith.constant 0 : i32
      %dma_start3A_77 = tpu.memref_slice %arg10[%add3A_14, %dma_start3A_76] : memref<10112x128xf32, #tpu.memory_space<vmem_shared>> -> memref<128x128xf32, #tpu.memory_space<vmem_shared>>
      %dma_start3A_78 = arith.constant 0 : i32
      %dma_start3A_79 = tpu.memref_slice %arg10[%add3A_14, %dma_start3A_78] : memref<10112x128xf32, #tpu.memory_space<vmem_shared>> -> memref<128x128xf32, #tpu.memory_space<vmem_shared>>
      tpu.enqueue_dma source(%arg8 : memref<128x128xf32, #tpu.memory_space<vmem>>) target(%dma_start3A_79 : memref<128x128xf32, #tpu.memory_space<vmem_shared>>) target_semaphore(%run_scoped3A : memref<!tpu.dma_semaphore, #tpu.memory_space<semaphore_mem>>)
      %dma_wait3A = arith.constant 0 : i32
      %dma_wait3A_80 = tpu.memref_slice %arg10[%add3A_14, %dma_wait3A] : memref<10112x128xf32, #tpu.memory_space<vmem_shared>> -> memref<128x128xf32, #tpu.memory_space<vmem_shared>>
      %dma_wait3A_81 = arith.constant 0 : i32
      %dma_wait3A_82 = tpu.memref_slice %arg10[%add3A_14, %dma_wait3A_81] : memref<10112x128xf32, #tpu.memory_space<vmem_shared>> -> memref<128x128xf32, #tpu.memory_space<vmem_shared>>
      tpu.wait_dma2 semaphore(%run_scoped3A : memref<!tpu.dma_semaphore, #tpu.memory_space<semaphore_mem>>) src(%arg8 : memref<128x128xf32, #tpu.memory_space<vmem>>) dst(%dma_wait3A_82 : memref<128x128xf32, #tpu.memory_space<vmem_shared>>)
      tpu.yield
    }) : () -> ()
    %mul3A_15 = arith.constant 632 : i32
    %mul3A_16 = arith.muli %arg1, %mul3A_15 : i32
    %add3A_17 = arith.constant 256 : i32
    %add3A_18 = arith.addi %mul3A_16, %add3A_17 : i32
    "tpu.region"() ({
      %run_scoped3A = tpu.sem_alloc : memref<!tpu.dma_semaphore, #tpu.memory_space<semaphore_mem>>
      %dma_start3A_76 = arith.constant 0 : i32
      %dma_start3A_77 = tpu.memref_slice %arg10[%add3A_18, %dma_start3A_76] : memref<10112x128xf32, #tpu.memory_space<vmem_shared>> -> memref<128x128xf32, #tpu.memory_space<vmem_shared>>
      %dma_start3A_78 = arith.constant 0 : i32
      %dma_start3A_79 = tpu.memref_slice %arg10[%add3A_18, %dma_start3A_78] : memref<10112x128xf32, #tpu.memory_space<vmem_shared>> -> memref<128x128xf32, #tpu.memory_space<vmem_shared>>
      tpu.enqueue_dma source(%arg8 : memref<128x128xf32, #tpu.memory_space<vmem>>) target(%dma_start3A_79 : memref<128x128xf32, #tpu.memory_space<vmem_shared>>) target_semaphore(%run_scoped3A : memref<!tpu.dma_semaphore, #tpu.memory_space<semaphore_mem>>)
      %dma_wait3A = arith.constant 0 : i32
      %dma_wait3A_80 = tpu.memref_slice %arg10[%add3A_18, %dma_wait3A] : memref<10112x128xf32, #tpu.memory_space<vmem_shared>> -> memref<128x128xf32, #tpu.memory_space<vmem_shared>>
      %dma_wait3A_81 = arith.constant 0 : i32
      %dma_wait3A_82 = tpu.memref_slice %arg10[%add3A_18, %dma_wait3A_81] : memref<10112x128xf32, #tpu.memory_space<vmem_shared>> -> memref<128x128xf32, #tpu.memory_space<vmem_shared>>
      tpu.wait_dma2 semaphore(%run_scoped3A : memref<!tpu.dma_semaphore, #tpu.memory_space<semaphore_mem>>) src(%arg8 : memref<128x128xf32, #tpu.memory_space<vmem>>) dst(%dma_wait3A_82 : memref<128x128xf32, #tpu.memory_space<vmem_shared>>)
      tpu.yield
    }) : () -> ()
    %mul3A_19 = arith.constant 632 : i32
    %mul3A_20 = arith.muli %arg1, %mul3A_19 : i32
    %add3A_21 = arith.constant 384 : i32
    %add3A_22 = arith.addi %mul3A_20, %add3A_21 : i32
    "tpu.region"() ({
      %run_scoped3A = tpu.sem_alloc : memref<!tpu.dma_semaphore, #tpu.memory_space<semaphore_mem>>
      %dma_start3A_76 = arith.constant 0 : i32
      %dma_start3A_77 = tpu.memref_slice %arg10[%add3A_22, %dma_start3A_76] : memref<10112x128xf32, #tpu.memory_space<vmem_shared>> -> memref<128x128xf32, #tpu.memory_space<vmem_shared>>
      %dma_start3A_78 = arith.constant 0 : i32
      %dma_start3A_79 = tpu.memref_slice %arg10[%add3A_22, %dma_start3A_78] : memref<10112x128xf32, #tpu.memory_space<vmem_shared>> -> memref<128x128xf32, #tpu.memory_space<vmem_shared>>
      tpu.enqueue_dma source(%arg8 : memref<128x128xf32, #tpu.memory_space<vmem>>) target(%dma_start3A_79 : memref<128x128xf32, #tpu.memory_space<vmem_shared>>) target_semaphore(%run_scoped3A : memref<!tpu.dma_semaphore, #tpu.memory_space<semaphore_mem>>)
      %dma_wait3A = arith.constant 0 : i32
      %dma_wait3A_80 = tpu.memref_slice %arg10[%add3A_22, %dma_wait3A] : memref<10112x128xf32, #tpu.memory_space<vmem_shared>> -> memref<128x128xf32, #tpu.memory_space<vmem_shared>>
      %dma_wait3A_81 = arith.constant 0 : i32
      %dma_wait3A_82 = tpu.memref_slice %arg10[%add3A_22, %dma_wait3A_81] : memref<10112x128xf32, #tpu.memory_space<vmem_shared>> -> memref<128x128xf32, #tpu.memory_space<vmem_shared>>
      tpu.wait_dma2 semaphore(%run_scoped3A : memref<!tpu.dma_semaphore, #tpu.memory_space<semaphore_mem>>) src(%arg8 : memref<128x128xf32, #tpu.memory_space<vmem>>) dst(%dma_wait3A_82 : memref<128x128xf32, #tpu.memory_space<vmem_shared>>)
      tpu.yield
    }) : () -> ()
    %mul3A_23 = arith.constant 632 : i32
    %mul3A_24 = arith.muli %arg1, %mul3A_23 : i32
    %add3A_25 = arith.constant 632 : i32
    %add3A_26 = arith.addi %mul3A_24, %add3A_25 : i32
    %sub3A = arith.constant 120 : i32
    %sub3A_27 = arith.subi %add3A_26, %sub3A : i32
    "tpu.region"() ({
      %run_scoped3A = tpu.sem_alloc : memref<!tpu.dma_semaphore, #tpu.memory_space<semaphore_mem>>
      %dma_start3A_76 = arith.constant 0 : i32
      %dma_start3A_77 = arith.constant 0 : i32
      %dma_start3A_78 = tpu.memref_slice %arg8[%dma_start3A_76, %dma_start3A_77] : memref<128x128xf32, #tpu.memory_space<vmem>> -> memref<120x128xf32, #tpu.memory_space<vmem>>
      %dma_start3A_79 = arith.constant 0 : i32
      %dma_start3A_80 = tpu.memref_slice %arg10[%sub3A_27, %dma_start3A_79] : memref<10112x128xf32, #tpu.memory_space<vmem_shared>> -> memref<120x128xf32, #tpu.memory_space<vmem_shared>>
      %dma_start3A_81 = arith.constant 0 : i32
      %dma_start3A_82 = tpu.memref_slice %arg10[%sub3A_27, %dma_start3A_81] : memref<10112x128xf32, #tpu.memory_space<vmem_shared>> -> memref<120x128xf32, #tpu.memory_space<vmem_shared>>
      %dma_start3A_83 = arith.constant 0 : i32
      %dma_start3A_84 = arith.constant 0 : i32
      %dma_start3A_85 = tpu.memref_slice %arg8[%dma_start3A_83, %dma_start3A_84] : memref<128x128xf32, #tpu.memory_space<vmem>> -> memref<120x128xf32, #tpu.memory_space<vmem>>
      tpu.enqueue_dma source(%dma_start3A_85 : memref<120x128xf32, #tpu.memory_space<vmem>>) target(%dma_start3A_82 : memref<120x128xf32, #tpu.memory_space<vmem_shared>>) target_semaphore(%run_scoped3A : memref<!tpu.dma_semaphore, #tpu.memory_space<semaphore_mem>>)
      %dma_wait3A = arith.constant 0 : i32
      %dma_wait3A_86 = arith.constant 0 : i32
      %dma_wait3A_87 = tpu.memref_slice %arg8[%dma_wait3A, %dma_wait3A_86] : memref<128x128xf32, #tpu.memory_space<vmem>> -> memref<120x128xf32, #tpu.memory_space<vmem>>
      %dma_wait3A_88 = arith.constant 0 : i32
      %dma_wait3A_89 = tpu.memref_slice %arg10[%sub3A_27, %dma_wait3A_88] : memref<10112x128xf32, #tpu.memory_space<vmem_shared>> -> memref<120x128xf32, #tpu.memory_space<vmem_shared>>
      %dma_wait3A_90 = arith.constant 0 : i32
      %dma_wait3A_91 = tpu.memref_slice %arg10[%sub3A_27, %dma_wait3A_90] : memref<10112x128xf32, #tpu.memory_space<vmem_shared>> -> memref<120x128xf32, #tpu.memory_space<vmem_shared>>
      %dma_wait3A_92 = arith.constant 0 : i32
      %dma_wait3A_93 = arith.constant 0 : i32
      %dma_wait3A_94 = tpu.memref_slice %arg8[%dma_wait3A_92, %dma_wait3A_93] : memref<128x128xf32, #tpu.memory_space<vmem>> -> memref<120x128xf32, #tpu.memory_space<vmem>>
      tpu.wait_dma2 semaphore(%run_scoped3A : memref<!tpu.dma_semaphore, #tpu.memory_space<semaphore_mem>>) src(%dma_wait3A_94 : memref<120x128xf32, #tpu.memory_space<vmem>>) dst(%dma_wait3A_91 : memref<120x128xf32, #tpu.memory_space<vmem_shared>>)
      tpu.yield
    }) : () -> ()
    %barrier3A = arith.constant 0 : index
    tpu.barrier barrier_id(%barrier3A)
    %mul3A_28 = arith.constant 80 : i32
    %mul3A_29 = arith.muli %add3A, %mul3A_28 : i32
    %add3A_30 = arith.constant 0 : i32
    %add3A_31 = arith.addi %mul3A_29, %add3A_30 : i32
    "tpu.region"() ({
      %run_scoped3A = tpu.sem_alloc : memref<!tpu.dma_semaphore, #tpu.memory_space<semaphore_mem>>
      %dma_start3A_76 = arith.constant 0 : i32
      %dma_start3A_77 = tpu.memref_slice %arg3[%add3A_31, %dma_start3A_76] : memref<2560x128xi32, #tpu.memory_space<hbm>> -> memref<40x128xi32, #tpu.memory_space<hbm>>
      %dma_start3A_78 = arith.constant 0 : i32
      %dma_start3A_79 = tpu.memref_slice %arg3[%add3A_31, %dma_start3A_78] : memref<2560x128xi32, #tpu.memory_space<hbm>> -> memref<40x128xi32, #tpu.memory_space<hbm>>
      tpu.enqueue_dma source(%dma_start3A_79 : memref<40x128xi32, #tpu.memory_space<hbm>>) target(%arg6 : memref<40x128xi32, #tpu.memory_space<vmem>>) target_semaphore(%run_scoped3A : memref<!tpu.dma_semaphore, #tpu.memory_space<semaphore_mem>>)
      %dma_wait3A = arith.constant 0 : i32
      %dma_wait3A_80 = tpu.memref_slice %arg3[%add3A_31, %dma_wait3A] : memref<2560x128xi32, #tpu.memory_space<hbm>> -> memref<40x128xi32, #tpu.memory_space<hbm>>
      %dma_wait3A_81 = arith.constant 0 : i32
      %dma_wait3A_82 = tpu.memref_slice %arg3[%add3A_31, %dma_wait3A_81] : memref<2560x128xi32, #tpu.memory_space<hbm>> -> memref<40x128xi32, #tpu.memory_space<hbm>>
      tpu.wait_dma2 semaphore(%run_scoped3A : memref<!tpu.dma_semaphore, #tpu.memory_space<semaphore_mem>>) src(%dma_wait3A_82 : memref<40x128xi32, #tpu.memory_space<hbm>>) dst(%arg6 : memref<40x128xi32, #tpu.memory_space<vmem>>)
      tpu.yield
    }) : () -> ()
    %mul3A_32 = arith.constant 80 : i32
    %mul3A_33 = arith.muli %add3A, %mul3A_32 : i32
    %add3A_34 = arith.constant 0 : i32
    %add3A_35 = arith.addi %mul3A_33, %add3A_34 : i32
    "tpu.region"() ({
      %run_scoped3A = tpu.sem_alloc : memref<!tpu.dma_semaphore, #tpu.memory_space<semaphore_mem>>
      %dma_start3A_76 = arith.constant 0 : i32
      %dma_start3A_77 = tpu.memref_slice %arg4[%add3A_35, %dma_start3A_76] : memref<2560x128xi32, #tpu.memory_space<hbm>> -> memref<40x128xi32, #tpu.memory_space<hbm>>
      %dma_start3A_78 = arith.constant 0 : i32
      %dma_start3A_79 = tpu.memref_slice %arg4[%add3A_35, %dma_start3A_78] : memref<2560x128xi32, #tpu.memory_space<hbm>> -> memref<40x128xi32, #tpu.memory_space<hbm>>
      tpu.enqueue_dma source(%dma_start3A_79 : memref<40x128xi32, #tpu.memory_space<hbm>>) target(%arg7 : memref<40x128xi32, #tpu.memory_space<vmem>>) target_semaphore(%run_scoped3A : memref<!tpu.dma_semaphore, #tpu.memory_space<semaphore_mem>>)
      %dma_wait3A = arith.constant 0 : i32
      %dma_wait3A_80 = tpu.memref_slice %arg4[%add3A_35, %dma_wait3A] : memref<2560x128xi32, #tpu.memory_space<hbm>> -> memref<40x128xi32, #tpu.memory_space<hbm>>
      %dma_wait3A_81 = arith.constant 0 : i32
      %dma_wait3A_82 = tpu.memref_slice %arg4[%add3A_35, %dma_wait3A_81] : memref<2560x128xi32, #tpu.memory_space<hbm>> -> memref<40x128xi32, #tpu.memory_space<hbm>>
      tpu.wait_dma2 semaphore(%run_scoped3A : memref<!tpu.dma_semaphore, #tpu.memory_space<semaphore_mem>>) src(%dma_wait3A_82 : memref<40x128xi32, #tpu.memory_space<hbm>>) dst(%arg7 : memref<40x128xi32, #tpu.memory_space<vmem>>)
      tpu.yield
    }) : () -> ()
    %dma_start3A = arith.constant 0 : i32
    %dma_start3A_36 = arith.constant 0 : i32
    %dma_start3A_37 = tpu.memref_slice %arg6[%dma_start3A, %dma_start3A_36] : memref<40x128xi32, #tpu.memory_space<vmem>> -> memref<1x128xi32, #tpu.memory_space<vmem>>
    %dma_start3A_38 = tpu.memref_squeeze %dma_start3A_37 : memref<1x128xi32, #tpu.memory_space<vmem>> -> memref<128xi32, #tpu.memory_space<vmem>>
    %dma_start3A_39 = arith.constant 0 : i32
    %dma_start3A_40 = arith.constant 0 : i32
    %dma_start3A_41 = tpu.memref_slice %arg2[%dma_start3A_39, %dma_start3A_40] : memref<10000x128xf32, #tpu.memory_space<hbm>> -> memref<10000x128xf32, #tpu.memory_space<hbm>>
    tpu.enqueue_indirect_dma source(%dma_start3A_41 : memref<10000x128xf32, #tpu.memory_space<hbm>>) target(%arg8 : memref<128x128xf32, #tpu.memory_space<vmem>>) offsets(%dma_start3A_38 : memref<128xi32, #tpu.memory_space<vmem>>) semaphore(%arg12 : memref<!tpu.dma_semaphore, #tpu.memory_space<semaphore_mem>>)
    %scan3A_42 = arith.constant 0 : i32
    %scan3A_43 = arith.constant 0 : i32
    %scan3A_44 = arith.constant 20 : i32
    %scan3A_45 = arith.addi %scan3A_43, %scan3A_44 : i32
    %scan3A_46 = arith.constant 1 : i32
    %scan3A_47 = scf.for %scan3A_76 = %scan3A_43 to %scan3A_45 step %scan3A_46 iter_args(%scan3A_77 = %scan3A_42) -> (i32)  : i32 {
      %mul3A_78 = arith.constant 2 : i32
      %mul3A_79 = arith.muli %mul3A_78, %scan3A_76 : i32
      %add3A_80 = arith.constant 1 : i32
      %add3A_81 = arith.addi %mul3A_79, %add3A_80 : i32
      %dma_start3A_82 = arith.constant 0 : i32
      %dma_start3A_83 = tpu.memref_slice %arg6[%add3A_81, %dma_start3A_82] : memref<40x128xi32, #tpu.memory_space<vmem>> -> memref<1x128xi32, #tpu.memory_space<vmem>>
      %dma_start3A_84 = tpu.memref_squeeze %dma_start3A_83 : memref<1x128xi32, #tpu.memory_space<vmem>> -> memref<128xi32, #tpu.memory_space<vmem>>
      %dma_start3A_85 = arith.constant 0 : i32
      %dma_start3A_86 = arith.constant 0 : i32
      %dma_start3A_87 = tpu.memref_slice %arg2[%dma_start3A_85, %dma_start3A_86] : memref<10000x128xf32, #tpu.memory_space<hbm>> -> memref<10000x128xf32, #tpu.memory_space<hbm>>
      tpu.enqueue_indirect_dma source(%dma_start3A_87 : memref<10000x128xf32, #tpu.memory_space<hbm>>) target(%arg9 : memref<128x128xf32, #tpu.memory_space<vmem>>) offsets(%dma_start3A_84 : memref<128xi32, #tpu.memory_space<vmem>>) semaphore(%arg13 : memref<!tpu.dma_semaphore, #tpu.memory_space<semaphore_mem>>)
      %mul3A_88 = arith.constant 2 : i32
      %mul3A_89 = arith.muli %mul3A_88, %scan3A_76 : i32
      %dma_wait3A = arith.constant 0 : i32
      %dma_wait3A_90 = tpu.memref_slice %arg6[%mul3A_89, %dma_wait3A] : memref<40x128xi32, #tpu.memory_space<vmem>> -> memref<1x128xi32, #tpu.memory_space<vmem>>
      %dma_wait3A_91 = tpu.memref_squeeze %dma_wait3A_90 : memref<1x128xi32, #tpu.memory_space<vmem>> -> memref<128xi32, #tpu.memory_space<vmem>>
      %dma_wait3A_92 = arith.constant 0 : i32
      %dma_wait3A_93 = arith.constant 0 : i32
      %dma_wait3A_94 = tpu.memref_slice %arg2[%dma_wait3A_92, %dma_wait3A_93] : memref<10000x128xf32, #tpu.memory_space<hbm>> -> memref<10000x128xf32, #tpu.memory_space<hbm>>
      tpu.wait_indirect_dma semaphore(%arg12 : memref<!tpu.dma_semaphore, #tpu.memory_space<semaphore_mem>>) src(%dma_wait3A_94 : memref<10000x128xf32, #tpu.memory_space<hbm>>) dst(%arg8 : memref<128x128xf32, #tpu.memory_space<vmem>>)
      %mul3A_95 = arith.constant 2 : i32
      %mul3A_96 = arith.muli %mul3A_95, %scan3A_76 : i32
      "tpu.region"() ({
        %run_scoped3A = tpu.sem_alloc : memref<!tpu.dma_semaphore, #tpu.memory_space<semaphore_mem>>
        %dma_start3A_114 = arith.constant 0 : i32
        %dma_start3A_115 = tpu.memref_slice %arg7[%mul3A_96, %dma_start3A_114] : memref<40x128xi32, #tpu.memory_space<vmem>> -> memref<1x128xi32, #tpu.memory_space<vmem>>
        %dma_start3A_116 = tpu.memref_squeeze %dma_start3A_115 : memref<1x128xi32, #tpu.memory_space<vmem>> -> memref<128xi32, #tpu.memory_space<vmem>>
        %dma_start3A_117 = arith.constant 0 : i32
        %dma_start3A_118 = arith.constant 0 : i32
        %dma_start3A_119 = tpu.memref_slice %arg10[%dma_start3A_117, %dma_start3A_118] : memref<10112x128xf32, #tpu.memory_space<vmem_shared>> -> memref<10112x128xf32, #tpu.memory_space<vmem_shared>>
        tpu.enqueue_indirect_dma source(%arg8 : memref<128x128xf32, #tpu.memory_space<vmem>>) target(%dma_start3A_119 : memref<10112x128xf32, #tpu.memory_space<vmem_shared>>) offsets(%dma_start3A_116 : memref<128xi32, #tpu.memory_space<vmem>>) semaphore(%run_scoped3A : memref<!tpu.dma_semaphore, #tpu.memory_space<semaphore_mem>>) {add = true}
        %dma_wait3A_120 = arith.constant 0 : i32
        %dma_wait3A_121 = tpu.memref_slice %arg7[%mul3A_96, %dma_wait3A_120] : memref<40x128xi32, #tpu.memory_space<vmem>> -> memref<1x128xi32, #tpu.memory_space<vmem>>
        %dma_wait3A_122 = tpu.memref_squeeze %dma_wait3A_121 : memref<1x128xi32, #tpu.memory_space<vmem>> -> memref<128xi32, #tpu.memory_space<vmem>>
        %dma_wait3A_123 = arith.constant 0 : i32
        %dma_wait3A_124 = arith.constant 0 : i32
        %dma_wait3A_125 = tpu.memref_slice %arg10[%dma_wait3A_123, %dma_wait3A_124] : memref<10112x128xf32, #tpu.memory_space<vmem_shared>> -> memref<10112x128xf32, #tpu.memory_space<vmem_shared>>
        tpu.wait_indirect_dma semaphore(%run_scoped3A : memref<!tpu.dma_semaphore, #tpu.memory_space<semaphore_mem>>) src(%arg8 : memref<128x128xf32, #tpu.memory_space<vmem>>) dst(%dma_wait3A_125 : memref<10112x128xf32, #tpu.memory_space<vmem_shared>>)
        tpu.yield
      }) : () -> ()
      %lt3A = arith.constant 19 : i32
      %lt3A_97 = arith.cmpi slt, %scan3A_76, %lt3A : i32
      %convert_element_type3A = arith.extui %lt3A_97 : i1 to i32
      %cond3A = arith.constant 0 : i32
      %cond3A_98 = arith.cmpi ne, %convert_element_type3A, %cond3A : i32
      scf.if %cond3A_98 {
        %mul3A_114 = arith.constant 2 : i32
        %mul3A_115 = arith.muli %mul3A_114, %scan3A_76 : i32
        %add3A_116 = arith.constant 2 : i32
        %add3A_117 = arith.addi %mul3A_115, %add3A_116 : i32
        %dma_start3A_118 = arith.constant 0 : i32
        %dma_start3A_119 = tpu.memref_slice %arg6[%add3A_117, %dma_start3A_118] : memref<40x128xi32, #tpu.memory_space<vmem>> -> memref<1x128xi32, #tpu.memory_space<vmem>>
        %dma_start3A_120 = tpu.memref_squeeze %dma_start3A_119 : memref<1x128xi32, #tpu.memory_space<vmem>> -> memref<128xi32, #tpu.memory_space<vmem>>
        %dma_start3A_121 = arith.constant 0 : i32
        %dma_start3A_122 = arith.constant 0 : i32
        %dma_start3A_123 = tpu.memref_slice %arg2[%dma_start3A_121, %dma_start3A_122] : memref<10000x128xf32, #tpu.memory_space<hbm>> -> memref<10000x128xf32, #tpu.memory_space<hbm>>
        tpu.enqueue_indirect_dma source(%dma_start3A_123 : memref<10000x128xf32, #tpu.memory_space<hbm>>) target(%arg8 : memref<128x128xf32, #tpu.memory_space<vmem>>) offsets(%dma_start3A_120 : memref<128xi32, #tpu.memory_space<vmem>>) semaphore(%arg12 : memref<!tpu.dma_semaphore, #tpu.memory_space<semaphore_mem>>)
      } else {
      }
      %mul3A_99 = arith.constant 2 : i32
      %mul3A_100 = arith.muli %mul3A_99, %scan3A_76 : i32
      %add3A_101 = arith.constant 1 : i32
      %add3A_102 = arith.addi %mul3A_100, %add3A_101 : i32
      %dma_wait3A_103 = arith.constant 0 : i32
      %dma_wait3A_104 = tpu.memref_slice %arg6[%add3A_102, %dma_wait3A_103] : memref<40x128xi32, #tpu.memory_space<vmem>> -> memref<1x128xi32, #tpu.memory_space<vmem>>
      %dma_wait3A_105 = tpu.memref_squeeze %dma_wait3A_104 : memref<1x128xi32, #tpu.memory_space<vmem>> -> memref<128xi32, #tpu.memory_space<vmem>>
      %dma_wait3A_106 = arith.constant 0 : i32
      %dma_wait3A_107 = arith.constant 0 : i32
      %dma_wait3A_108 = tpu.memref_slice %arg2[%dma_wait3A_106, %dma_wait3A_107] : memref<10000x128xf32, #tpu.memory_space<hbm>> -> memref<10000x128xf32, #tpu.memory_space<hbm>>
      tpu.wait_indirect_dma semaphore(%arg13 : memref<!tpu.dma_semaphore, #tpu.memory_space<semaphore_mem>>) src(%dma_wait3A_108 : memref<10000x128xf32, #tpu.memory_space<hbm>>) dst(%arg9 : memref<128x128xf32, #tpu.memory_space<vmem>>)
      %mul3A_109 = arith.constant 2 : i32
      %mul3A_110 = arith.muli %mul3A_109, %scan3A_76 : i32
      %add3A_111 = arith.constant 1 : i32
      %add3A_112 = arith.addi %mul3A_110, %add3A_111 : i32
      "tpu.region"() ({
        %run_scoped3A = tpu.sem_alloc : memref<!tpu.dma_semaphore, #tpu.memory_space<semaphore_mem>>
        %dma_start3A_114 = arith.constant 0 : i32
        %dma_start3A_115 = tpu.memref_slice %arg7[%add3A_112, %dma_start3A_114] : memref<40x128xi32, #tpu.memory_space<vmem>> -> memref<1x128xi32, #tpu.memory_space<vmem>>
        %dma_start3A_116 = tpu.memref_squeeze %dma_start3A_115 : memref<1x128xi32, #tpu.memory_space<vmem>> -> memref<128xi32, #tpu.memory_space<vmem>>
        %dma_start3A_117 = arith.constant 0 : i32
        %dma_start3A_118 = arith.constant 0 : i32
        %dma_start3A_119 = tpu.memref_slice %arg10[%dma_start3A_117, %dma_start3A_118] : memref<10112x128xf32, #tpu.memory_space<vmem_shared>> -> memref<10112x128xf32, #tpu.memory_space<vmem_shared>>
        tpu.enqueue_indirect_dma source(%arg9 : memref<128x128xf32, #tpu.memory_space<vmem>>) target(%dma_start3A_119 : memref<10112x128xf32, #tpu.memory_space<vmem_shared>>) offsets(%dma_start3A_116 : memref<128xi32, #tpu.memory_space<vmem>>) semaphore(%run_scoped3A : memref<!tpu.dma_semaphore, #tpu.memory_space<semaphore_mem>>) {add = true}
        %dma_wait3A_120 = arith.constant 0 : i32
        %dma_wait3A_121 = tpu.memref_slice %arg7[%add3A_112, %dma_wait3A_120] : memref<40x128xi32, #tpu.memory_space<vmem>> -> memref<1x128xi32, #tpu.memory_space<vmem>>
        %dma_wait3A_122 = tpu.memref_squeeze %dma_wait3A_121 : memref<1x128xi32, #tpu.memory_space<vmem>> -> memref<128xi32, #tpu.memory_space<vmem>>
        %dma_wait3A_123 = arith.constant 0 : i32
        %dma_wait3A_124 = arith.constant 0 : i32
        %dma_wait3A_125 = tpu.memref_slice %arg10[%dma_wait3A_123, %dma_wait3A_124] : memref<10112x128xf32, #tpu.memory_space<vmem_shared>> -> memref<10112x128xf32, #tpu.memory_space<vmem_shared>>
        tpu.wait_indirect_dma semaphore(%run_scoped3A : memref<!tpu.dma_semaphore, #tpu.memory_space<semaphore_mem>>) src(%arg9 : memref<128x128xf32, #tpu.memory_space<vmem>>) dst(%dma_wait3A_125 : memref<10112x128xf32, #tpu.memory_space<vmem_shared>>)
        tpu.yield
      }) : () -> ()
      %scan3A_113 = arith.constant 0 : i32
      scf.yield %scan3A_113 : i32
    }
    %scan3A_48 = arith.constant 20 : i32
    %mul3A_49 = arith.constant 80 : i32
    %mul3A_50 = arith.muli %add3A, %mul3A_49 : i32
    %add3A_51 = arith.constant 40 : i32
    %add3A_52 = arith.addi %mul3A_50, %add3A_51 : i32
    "tpu.region"() ({
      %run_scoped3A = tpu.sem_alloc : memref<!tpu.dma_semaphore, #tpu.memory_space<semaphore_mem>>
      %dma_start3A_76 = arith.constant 0 : i32
      %dma_start3A_77 = tpu.memref_slice %arg3[%add3A_52, %dma_start3A_76] : memref<2560x128xi32, #tpu.memory_space<hbm>> -> memref<40x128xi32, #tpu.memory_space<hbm>>
      %dma_start3A_78 = arith.constant 0 : i32
      %dma_start3A_79 = tpu.memref_slice %arg3[%add3A_52, %dma_start3A_78] : memref<2560x128xi32, #tpu.memory_space<hbm>> -> memref<40x128xi32, #tpu.memory_space<hbm>>
      tpu.enqueue_dma source(%dma_start3A_79 : memref<40x128xi32, #tpu.memory_space<hbm>>) target(%arg6 : memref<40x128xi32, #tpu.memory_space<vmem>>) target_semaphore(%run_scoped3A : memref<!tpu.dma_semaphore, #tpu.memory_space<semaphore_mem>>)
      %dma_wait3A = arith.constant 0 : i32
      %dma_wait3A_80 = tpu.memref_slice %arg3[%add3A_52, %dma_wait3A] : memref<2560x128xi32, #tpu.memory_space<hbm>> -> memref<40x128xi32, #tpu.memory_space<hbm>>
      %dma_wait3A_81 = arith.constant 0 : i32
      %dma_wait3A_82 = tpu.memref_slice %arg3[%add3A_52, %dma_wait3A_81] : memref<2560x128xi32, #tpu.memory_space<hbm>> -> memref<40x128xi32, #tpu.memory_space<hbm>>
      tpu.wait_dma2 semaphore(%run_scoped3A : memref<!tpu.dma_semaphore, #tpu.memory_space<semaphore_mem>>) src(%dma_wait3A_82 : memref<40x128xi32, #tpu.memory_space<hbm>>) dst(%arg6 : memref<40x128xi32, #tpu.memory_space<vmem>>)
      tpu.yield
    }) : () -> ()
    %mul3A_53 = arith.constant 80 : i32
    %mul3A_54 = arith.muli %add3A, %mul3A_53 : i32
    %add3A_55 = arith.constant 40 : i32
    %add3A_56 = arith.addi %mul3A_54, %add3A_55 : i32
    "tpu.region"() ({
      %run_scoped3A = tpu.sem_alloc : memref<!tpu.dma_semaphore, #tpu.memory_space<semaphore_mem>>
      %dma_start3A_76 = arith.constant 0 : i32
      %dma_start3A_77 = tpu.memref_slice %arg4[%add3A_56, %dma_start3A_76] : memref<2560x128xi32, #tpu.memory_space<hbm>> -> memref<40x128xi32, #tpu.memory_space<hbm>>
      %dma_start3A_78 = arith.constant 0 : i32
      %dma_start3A_79 = tpu.memref_slice %arg4[%add3A_56, %dma_start3A_78] : memref<2560x128xi32, #tpu.memory_space<hbm>> -> memref<40x128xi32, #tpu.memory_space<hbm>>
      tpu.enqueue_dma source(%dma_start3A_79 : memref<40x128xi32, #tpu.memory_space<hbm>>) target(%arg7 : memref<40x128xi32, #tpu.memory_space<vmem>>) target_semaphore(%run_scoped3A : memref<!tpu.dma_semaphore, #tpu.memory_space<semaphore_mem>>)
      %dma_wait3A = arith.constant 0 : i32
      %dma_wait3A_80 = tpu.memref_slice %arg4[%add3A_56, %dma_wait3A] : memref<2560x128xi32, #tpu.memory_space<hbm>> -> memref<40x128xi32, #tpu.memory_space<hbm>>
      %dma_wait3A_81 = arith.constant 0 : i32
      %dma_wait3A_82 = tpu.memref_slice %arg4[%add3A_56, %dma_wait3A_81] : memref<2560x128xi32, #tpu.memory_space<hbm>> -> memref<40x128xi32, #tpu.memory_space<hbm>>
      tpu.wait_dma2 semaphore(%run_scoped3A : memref<!tpu.dma_semaphore, #tpu.memory_space<semaphore_mem>>) src(%dma_wait3A_82 : memref<40x128xi32, #tpu.memory_space<hbm>>) dst(%arg7 : memref<40x128xi32, #tpu.memory_space<vmem>>)
      tpu.yield
    }) : () -> ()
    %dma_start3A_57 = arith.constant 0 : i32
    %dma_start3A_58 = arith.constant 0 : i32
    %dma_start3A_59 = tpu.memref_slice %arg6[%dma_start3A_57, %dma_start3A_58] : memref<40x128xi32, #tpu.memory_space<vmem>> -> memref<1x128xi32, #tpu.memory_space<vmem>>
    %dma_start3A_60 = tpu.memref_squeeze %dma_start3A_59 : memref<1x128xi32, #tpu.memory_space<vmem>> -> memref<128xi32, #tpu.memory_space<vmem>>
    %dma_start3A_61 = arith.constant 0 : i32
    %dma_start3A_62 = arith.constant 0 : i32
    %dma_start3A_63 = tpu.memref_slice %arg2[%dma_start3A_61, %dma_start3A_62] : memref<10000x128xf32, #tpu.memory_space<hbm>> -> memref<10000x128xf32, #tpu.memory_space<hbm>>
    tpu.enqueue_indirect_dma source(%dma_start3A_63 : memref<10000x128xf32, #tpu.memory_space<hbm>>) target(%arg8 : memref<128x128xf32, #tpu.memory_space<vmem>>) offsets(%dma_start3A_60 : memref<128xi32, #tpu.memory_space<vmem>>) semaphore(%arg12 : memref<!tpu.dma_semaphore, #tpu.memory_space<semaphore_mem>>)
    %scan3A_64 = arith.constant 0 : i32
    %scan3A_65 = arith.constant 0 : i32
    %scan3A_66 = arith.constant 20 : i32
    %scan3A_67 = arith.addi %scan3A_65, %scan3A_66 : i32
    %scan3A_68 = arith.constant 1 : i32
    %scan3A_69 = scf.for %scan3A_76 = %scan3A_65 to %scan3A_67 step %scan3A_68 iter_args(%scan3A_77 = %scan3A_64) -> (i32)  : i32 {
      %mul3A_78 = arith.constant 2 : i32
      %mul3A_79 = arith.muli %mul3A_78, %scan3A_76 : i32
      %add3A_80 = arith.constant 1 : i32
      %add3A_81 = arith.addi %mul3A_79, %add3A_80 : i32
      %dma_start3A_82 = arith.constant 0 : i32
      %dma_start3A_83 = tpu.memref_slice %arg6[%add3A_81, %dma_start3A_82] : memref<40x128xi32, #tpu.memory_space<vmem>> -> memref<1x128xi32, #tpu.memory_space<vmem>>
      %dma_start3A_84 = tpu.memref_squeeze %dma_start3A_83 : memref<1x128xi32, #tpu.memory_space<vmem>> -> memref<128xi32, #tpu.memory_space<vmem>>
      %dma_start3A_85 = arith.constant 0 : i32
      %dma_start3A_86 = arith.constant 0 : i32
      %dma_start3A_87 = tpu.memref_slice %arg2[%dma_start3A_85, %dma_start3A_86] : memref<10000x128xf32, #tpu.memory_space<hbm>> -> memref<10000x128xf32, #tpu.memory_space<hbm>>
      tpu.enqueue_indirect_dma source(%dma_start3A_87 : memref<10000x128xf32, #tpu.memory_space<hbm>>) target(%arg9 : memref<128x128xf32, #tpu.memory_space<vmem>>) offsets(%dma_start3A_84 : memref<128xi32, #tpu.memory_space<vmem>>) semaphore(%arg13 : memref<!tpu.dma_semaphore, #tpu.memory_space<semaphore_mem>>)
      %mul3A_88 = arith.constant 2 : i32
      %mul3A_89 = arith.muli %mul3A_88, %scan3A_76 : i32
      %dma_wait3A = arith.constant 0 : i32
      %dma_wait3A_90 = tpu.memref_slice %arg6[%mul3A_89, %dma_wait3A] : memref<40x128xi32, #tpu.memory_space<vmem>> -> memref<1x128xi32, #tpu.memory_space<vmem>>
      %dma_wait3A_91 = tpu.memref_squeeze %dma_wait3A_90 : memref<1x128xi32, #tpu.memory_space<vmem>> -> memref<128xi32, #tpu.memory_space<vmem>>
      %dma_wait3A_92 = arith.constant 0 : i32
      %dma_wait3A_93 = arith.constant 0 : i32
      %dma_wait3A_94 = tpu.memref_slice %arg2[%dma_wait3A_92, %dma_wait3A_93] : memref<10000x128xf32, #tpu.memory_space<hbm>> -> memref<10000x128xf32, #tpu.memory_space<hbm>>
      tpu.wait_indirect_dma semaphore(%arg12 : memref<!tpu.dma_semaphore, #tpu.memory_space<semaphore_mem>>) src(%dma_wait3A_94 : memref<10000x128xf32, #tpu.memory_space<hbm>>) dst(%arg8 : memref<128x128xf32, #tpu.memory_space<vmem>>)
      %mul3A_95 = arith.constant 2 : i32
      %mul3A_96 = arith.muli %mul3A_95, %scan3A_76 : i32
      "tpu.region"() ({
        %run_scoped3A = tpu.sem_alloc : memref<!tpu.dma_semaphore, #tpu.memory_space<semaphore_mem>>
        %dma_start3A_114 = arith.constant 0 : i32
        %dma_start3A_115 = tpu.memref_slice %arg7[%mul3A_96, %dma_start3A_114] : memref<40x128xi32, #tpu.memory_space<vmem>> -> memref<1x128xi32, #tpu.memory_space<vmem>>
        %dma_start3A_116 = tpu.memref_squeeze %dma_start3A_115 : memref<1x128xi32, #tpu.memory_space<vmem>> -> memref<128xi32, #tpu.memory_space<vmem>>
        %dma_start3A_117 = arith.constant 0 : i32
        %dma_start3A_118 = arith.constant 0 : i32
        %dma_start3A_119 = tpu.memref_slice %arg10[%dma_start3A_117, %dma_start3A_118] : memref<10112x128xf32, #tpu.memory_space<vmem_shared>> -> memref<10112x128xf32, #tpu.memory_space<vmem_shared>>
        tpu.enqueue_indirect_dma source(%arg8 : memref<128x128xf32, #tpu.memory_space<vmem>>) target(%dma_start3A_119 : memref<10112x128xf32, #tpu.memory_space<vmem_shared>>) offsets(%dma_start3A_116 : memref<128xi32, #tpu.memory_space<vmem>>) semaphore(%run_scoped3A : memref<!tpu.dma_semaphore, #tpu.memory_space<semaphore_mem>>) {add = true}
        %dma_wait3A_120 = arith.constant 0 : i32
        %dma_wait3A_121 = tpu.memref_slice %arg7[%mul3A_96, %dma_wait3A_120] : memref<40x128xi32, #tpu.memory_space<vmem>> -> memref<1x128xi32, #tpu.memory_space<vmem>>
        %dma_wait3A_122 = tpu.memref_squeeze %dma_wait3A_121 : memref<1x128xi32, #tpu.memory_space<vmem>> -> memref<128xi32, #tpu.memory_space<vmem>>
        %dma_wait3A_123 = arith.constant 0 : i32
        %dma_wait3A_124 = arith.constant 0 : i32
        %dma_wait3A_125 = tpu.memref_slice %arg10[%dma_wait3A_123, %dma_wait3A_124] : memref<10112x128xf32, #tpu.memory_space<vmem_shared>> -> memref<10112x128xf32, #tpu.memory_space<vmem_shared>>
        tpu.wait_indirect_dma semaphore(%run_scoped3A : memref<!tpu.dma_semaphore, #tpu.memory_space<semaphore_mem>>) src(%arg8 : memref<128x128xf32, #tpu.memory_space<vmem>>) dst(%dma_wait3A_125 : memref<10112x128xf32, #tpu.memory_space<vmem_shared>>)
        tpu.yield
      }) : () -> ()
      %lt3A = arith.constant 19 : i32
      %lt3A_97 = arith.cmpi slt, %scan3A_76, %lt3A : i32
      %convert_element_type3A = arith.extui %lt3A_97 : i1 to i32
      %cond3A = arith.constant 0 : i32
      %cond3A_98 = arith.cmpi ne, %convert_element_type3A, %cond3A : i32
      scf.if %cond3A_98 {
        %mul3A_114 = arith.constant 2 : i32
        %mul3A_115 = arith.muli %mul3A_114, %scan3A_76 : i32
        %add3A_116 = arith.constant 2 : i32
        %add3A_117 = arith.addi %mul3A_115, %add3A_116 : i32
        %dma_start3A_118 = arith.constant 0 : i32
        %dma_start3A_119 = tpu.memref_slice %arg6[%add3A_117, %dma_start3A_118] : memref<40x128xi32, #tpu.memory_space<vmem>> -> memref<1x128xi32, #tpu.memory_space<vmem>>
        %dma_start3A_120 = tpu.memref_squeeze %dma_start3A_119 : memref<1x128xi32, #tpu.memory_space<vmem>> -> memref<128xi32, #tpu.memory_space<vmem>>
        %dma_start3A_121 = arith.constant 0 : i32
        %dma_start3A_122 = arith.constant 0 : i32
        %dma_start3A_123 = tpu.memref_slice %arg2[%dma_start3A_121, %dma_start3A_122] : memref<10000x128xf32, #tpu.memory_space<hbm>> -> memref<10000x128xf32, #tpu.memory_space<hbm>>
        tpu.enqueue_indirect_dma source(%dma_start3A_123 : memref<10000x128xf32, #tpu.memory_space<hbm>>) target(%arg8 : memref<128x128xf32, #tpu.memory_space<vmem>>) offsets(%dma_start3A_120 : memref<128xi32, #tpu.memory_space<vmem>>) semaphore(%arg12 : memref<!tpu.dma_semaphore, #tpu.memory_space<semaphore_mem>>)
      } else {
      }
      %mul3A_99 = arith.constant 2 : i32
      %mul3A_100 = arith.muli %mul3A_99, %scan3A_76 : i32
      %add3A_101 = arith.constant 1 : i32
      %add3A_102 = arith.addi %mul3A_100, %add3A_101 : i32
      %dma_wait3A_103 = arith.constant 0 : i32
      %dma_wait3A_104 = tpu.memref_slice %arg6[%add3A_102, %dma_wait3A_103] : memref<40x128xi32, #tpu.memory_space<vmem>> -> memref<1x128xi32, #tpu.memory_space<vmem>>
      %dma_wait3A_105 = tpu.memref_squeeze %dma_wait3A_104 : memref<1x128xi32, #tpu.memory_space<vmem>> -> memref<128xi32, #tpu.memory_space<vmem>>
      %dma_wait3A_106 = arith.constant 0 : i32
      %dma_wait3A_107 = arith.constant 0 : i32
      %dma_wait3A_108 = tpu.memref_slice %arg2[%dma_wait3A_106, %dma_wait3A_107] : memref<10000x128xf32, #tpu.memory_space<hbm>> -> memref<10000x128xf32, #tpu.memory_space<hbm>>
      tpu.wait_indirect_dma semaphore(%arg13 : memref<!tpu.dma_semaphore, #tpu.memory_space<semaphore_mem>>) src(%dma_wait3A_108 : memref<10000x128xf32, #tpu.memory_space<hbm>>) dst(%arg9 : memref<128x128xf32, #tpu.memory_space<vmem>>)
      %mul3A_109 = arith.constant 2 : i32
      %mul3A_110 = arith.muli %mul3A_109, %scan3A_76 : i32
      %add3A_111 = arith.constant 1 : i32
      %add3A_112 = arith.addi %mul3A_110, %add3A_111 : i32
      "tpu.region"() ({
        %run_scoped3A = tpu.sem_alloc : memref<!tpu.dma_semaphore, #tpu.memory_space<semaphore_mem>>
        %dma_start3A_114 = arith.constant 0 : i32
        %dma_start3A_115 = tpu.memref_slice %arg7[%add3A_112, %dma_start3A_114] : memref<40x128xi32, #tpu.memory_space<vmem>> -> memref<1x128xi32, #tpu.memory_space<vmem>>
        %dma_start3A_116 = tpu.memref_squeeze %dma_start3A_115 : memref<1x128xi32, #tpu.memory_space<vmem>> -> memref<128xi32, #tpu.memory_space<vmem>>
        %dma_start3A_117 = arith.constant 0 : i32
        %dma_start3A_118 = arith.constant 0 : i32
        %dma_start3A_119 = tpu.memref_slice %arg10[%dma_start3A_117, %dma_start3A_118] : memref<10112x128xf32, #tpu.memory_space<vmem_shared>> -> memref<10112x128xf32, #tpu.memory_space<vmem_shared>>
        tpu.enqueue_indirect_dma source(%arg9 : memref<128x128xf32, #tpu.memory_space<vmem>>) target(%dma_start3A_119 : memref<10112x128xf32, #tpu.memory_space<vmem_shared>>) offsets(%dma_start3A_116 : memref<128xi32, #tpu.memory_space<vmem>>) semaphore(%run_scoped3A : memref<!tpu.dma_semaphore, #tpu.memory_space<semaphore_mem>>) {add = true}
        %dma_wait3A_120 = arith.constant 0 : i32
        %dma_wait3A_121 = tpu.memref_slice %arg7[%add3A_112, %dma_wait3A_120] : memref<40x128xi32, #tpu.memory_space<vmem>> -> memref<1x128xi32, #tpu.memory_space<vmem>>
        %dma_wait3A_122 = tpu.memref_squeeze %dma_wait3A_121 : memref<1x128xi32, #tpu.memory_space<vmem>> -> memref<128xi32, #tpu.memory_space<vmem>>
        %dma_wait3A_123 = arith.constant 0 : i32
        %dma_wait3A_124 = arith.constant 0 : i32
        %dma_wait3A_125 = tpu.memref_slice %arg10[%dma_wait3A_123, %dma_wait3A_124] : memref<10112x128xf32, #tpu.memory_space<vmem_shared>> -> memref<10112x128xf32, #tpu.memory_space<vmem_shared>>
        tpu.wait_indirect_dma semaphore(%run_scoped3A : memref<!tpu.dma_semaphore, #tpu.memory_space<semaphore_mem>>) src(%arg9 : memref<128x128xf32, #tpu.memory_space<vmem>>) dst(%dma_wait3A_125 : memref<10112x128xf32, #tpu.memory_space<vmem_shared>>)
        tpu.yield
      }) : () -> ()
      %scan3A_113 = arith.constant 0 : i32
      scf.yield %scan3A_113 : i32
    }
    %scan3A_70 = arith.constant 20 : i32
    %barrier3A_71 = arith.constant 0 : index
    tpu.barrier barrier_id(%barrier3A_71)
    %mul3A_72 = arith.constant 632 : i32
    %mul3A_73 = arith.muli %arg1, %mul3A_72 : i32
    %mul3A_74 = arith.constant 632 : i32
    %mul3A_75 = arith.muli %arg1, %mul3A_74 : i32
    "tpu.region"() ({
      %run_scoped3A = tpu.sem_alloc : memref<!tpu.dma_semaphore, #tpu.memory_space<semaphore_mem>>
      %dma_start3A_76 = arith.constant 0 : i32
      %dma_start3A_77 = tpu.memref_slice %arg5[%arg0, %mul3A_75, %dma_start3A_76] : memref<2x10112x128xf32, #tpu.memory_space<hbm>> -> memref<1x632x128xf32, #tpu.memory_space<hbm>>
      %dma_start3A_78 = tpu.memref_squeeze %dma_start3A_77 : memref<1x632x128xf32, #tpu.memory_space<hbm>> -> memref<632x128xf32, #tpu.memory_space<hbm>>
      %dma_start3A_79 = arith.constant 0 : i32
      %dma_start3A_80 = tpu.memref_slice %arg10[%mul3A_73, %dma_start3A_79] : memref<10112x128xf32, #tpu.memory_space<vmem_shared>> -> memref<632x128xf32, #tpu.memory_space<vmem_shared>>
      tpu.enqueue_dma source(%dma_start3A_80 : memref<632x128xf32, #tpu.memory_space<vmem_shared>>) target(%dma_start3A_78 : memref<632x128xf32, #tpu.memory_space<hbm>>) target_semaphore(%run_scoped3A : memref<!tpu.dma_semaphore, #tpu.memory_space<semaphore_mem>>)
      %dma_wait3A = arith.constant 0 : i32
      %dma_wait3A_81 = tpu.memref_slice %arg5[%arg0, %mul3A_75, %dma_wait3A] : memref<2x10112x128xf32, #tpu.memory_space<hbm>> -> memref<1x632x128xf32, #tpu.memory_space<hbm>>
      %dma_wait3A_82 = tpu.memref_squeeze %dma_wait3A_81 : memref<1x632x128xf32, #tpu.memory_space<hbm>> -> memref<632x128xf32, #tpu.memory_space<hbm>>
      %dma_wait3A_83 = arith.constant 0 : i32
      %dma_wait3A_84 = tpu.memref_slice %arg10[%mul3A_73, %dma_wait3A_83] : memref<10112x128xf32, #tpu.memory_space<vmem_shared>> -> memref<632x128xf32, #tpu.memory_space<vmem_shared>>
      tpu.wait_dma2 semaphore(%run_scoped3A : memref<!tpu.dma_semaphore, #tpu.memory_space<semaphore_mem>>) src(%dma_wait3A_84 : memref<632x128xf32, #tpu.memory_space<vmem_shared>>) dst(%dma_wait3A_82 : memref<632x128xf32, #tpu.memory_space<hbm>>)
      tpu.yield
    }) : () -> ()
    return
  }
}

module attributes {stable_mosaic.version = 14 : i64} {
  func.func @body(%arg0: memref<2x10000x1xf32, #tpu.memory_space<vmem>>, %arg1: memref<10000x128xf32, #tpu.memory_space<vmem>>, %arg2: memref<128x128xf32, #tpu.memory_space<vmem>>, %arg3: memref<10000x128xf32, #tpu.memory_space<vmem>>) attributes {dimension_semantics = [], scalar_prefetch = 0 : i64, scratch_operands = 0 : i64, tpu.core_type = #tpu.core_type<tc>} {
    %get3A = arith.constant 0 : index
    %get3A_0 = arith.constant 0 : index
    %get3A_1 = arith.constant 0 : index
    %get3A_2 = vector.load %arg0[%get3A, %get3A_0, %get3A_1] : memref<2x10000x1xf32, #tpu.memory_space<vmem>>, vector<1x10000x1xf32>
    %get3A_3 = vector.shape_cast %get3A_2 : vector<1x10000x1xf32> to vector<10000x1xf32>
    %get3A_4 = arith.constant 1 : index
    %get3A_5 = arith.constant 0 : index
    %get3A_6 = arith.constant 0 : index
    %get3A_7 = vector.load %arg0[%get3A_4, %get3A_5, %get3A_6] : memref<2x10000x1xf32, #tpu.memory_space<vmem>>, vector<1x10000x1xf32>
    %get3A_8 = vector.shape_cast %get3A_7 : vector<1x10000x1xf32> to vector<10000x1xf32>
    %add3A = arith.addf %get3A_3, %get3A_8 : vector<10000x1xf32>
    %add3A_9 = arith.constant 1.000000e+00 : f32
    %add3A_10 = vector.broadcast %add3A_9 : f32 to vector<10000x1xf32>
    %add3A_11 = arith.addf %add3A, %add3A_10 : vector<10000x1xf32>
    %rsqrt3A = math.rsqrt %add3A_11 : vector<10000x1xf32>
    %get3A_12 = arith.constant 0 : index
    %get3A_13 = arith.constant 0 : index
    %get3A_14 = vector.load %arg1[%get3A_12, %get3A_13] : memref<10000x128xf32, #tpu.memory_space<vmem>>, vector<10000x128xf32>
    %mul3A = vector.broadcast %rsqrt3A : vector<10000x1xf32> to vector<10000x128xf32>
    %mul3A_15 = arith.mulf %get3A_14, %mul3A : vector<10000x128xf32>
    %get3A_16 = arith.constant 0 : index
    %get3A_17 = arith.constant 0 : index
    %get3A_18 = vector.load %arg2[%get3A_16, %get3A_17] : memref<128x128xf32, #tpu.memory_space<vmem>>, vector<128x128xf32>
    %dot_general3A = arith.constant dense<0.000000e+00> : vector<10000x128xf32>
    %dot_general3A_19 = tpu.matmul %mul3A_15, %get3A_18, %dot_general3A {dimension_numbers = #tpu.dot_dimension_numbers<[1], [0], [0], [1], [0, 0, 1, 1], [], []>, transpose_lhs_hint = false} : vector<10000x128xf32>, vector<128x128xf32>, vector<10000x128xf32> -> vector<10000x128xf32>
    %swap3A = arith.constant 0 : index
    %swap3A_20 = arith.constant 0 : index
    %swap3A_21 = vector.load %arg3[%swap3A, %swap3A_20] : memref<10000x128xf32, #tpu.memory_space<vmem>>, vector<10000x128xf32>
    tpu.vector_store %arg3[%swap3A, %swap3A_20], %dot_general3A_19 {strides = array<i32>} : memref<10000x128xf32, #tpu.memory_space<vmem>>, vector<10000x128xf32>,
    return
  }
}

module attributes {stable_mosaic.version = 14 : i64} {
  func.func @body(%arg0: memref<2x10112x128xf32, #tpu.memory_space<vmem>>, %arg1: memref<128xf32, #tpu.memory_space<vmem>>, %arg2: memref<10000x32xf32, #tpu.memory_space<vmem>>, %arg3: memref<10000x160xf32, #tpu.memory_space<vmem>>) attributes {dimension_semantics = [], scalar_prefetch = 0 : i64, scratch_operands = 0 : i64, tpu.core_type = #tpu.core_type<tc>} {
    %get3A = arith.constant 0 : index
    %get3A_0 = arith.constant 0 : index
    %get3A_1 = arith.constant 0 : index
    %get3A_2 = vector.load %arg0[%get3A, %get3A_0, %get3A_1] : memref<2x10112x128xf32, #tpu.memory_space<vmem>>, vector<1x10000x128xf32>
    %get3A_3 = vector.shape_cast %get3A_2 : vector<1x10000x128xf32> to vector<10000x128xf32>
    %get3A_4 = arith.constant 1 : index
    %get3A_5 = arith.constant 0 : index
    %get3A_6 = arith.constant 0 : index
    %get3A_7 = vector.load %arg0[%get3A_4, %get3A_5, %get3A_6] : memref<2x10112x128xf32, #tpu.memory_space<vmem>>, vector<1x10000x128xf32>
    %get3A_8 = vector.shape_cast %get3A_7 : vector<1x10000x128xf32> to vector<10000x128xf32>
    %add3A = arith.addf %get3A_3, %get3A_8 : vector<10000x128xf32>
    %get3A_9 = arith.constant 0 : index
    %get3A_10 = vector.load %arg1[%get3A_9] : memref<128xf32, #tpu.memory_space<vmem>>, vector<128xf32>
    %broadcast_in_dim3A = vector.shape_cast %get3A_10 : vector<128xf32> to vector<1x128xf32>
    %add3A_11 = vector.broadcast %broadcast_in_dim3A : vector<1x128xf32> to vector<10000x128xf32>
    %add3A_12 = arith.addf %add3A, %add3A_11 : vector<10000x128xf32>
    %max3A = arith.constant 0.000000e+00 : f32
    %max3A_13 = vector.broadcast %max3A : f32 to vector<10000x128xf32>
    %max3A_14 = arith.maximumf %add3A_12, %max3A_13 : vector<10000x128xf32>
    %swap3A = arith.constant 0 : index
    %swap3A_15 = arith.constant 0 : index
    %swap3A_16 = vector.load %arg3[%swap3A, %swap3A_15] : memref<10000x160xf32, #tpu.memory_space<vmem>>, vector<10000x128xf32>
    tpu.vector_store %arg3[%swap3A, %swap3A_15], %max3A_14 {strides = array<i32>} : memref<10000x160xf32, #tpu.memory_space<vmem>>, vector<10000x128xf32>,
    %get3A_17 = arith.constant 0 : index
    %get3A_18 = arith.constant 0 : index
    %get3A_19 = vector.load %arg2[%get3A_17, %get3A_18] : memref<10000x32xf32, #tpu.memory_space<vmem>>, vector<10000x32xf32>
    %abs3A = math.absf %get3A_19 : vector<10000x32xf32>
    %swap3A_20 = arith.constant 0 : index
    %swap3A_21 = arith.constant 128 : index
    %swap3A_22 = vector.load %arg3[%swap3A_20, %swap3A_21] : memref<10000x160xf32, #tpu.memory_space<vmem>>, vector<10000x32xf32>
    tpu.vector_store %arg3[%swap3A_20, %swap3A_21], %abs3A {strides = array<i32>} : memref<10000x160xf32, #tpu.memory_space<vmem>>, vector<10000x32xf32>,
    return
  }
}

</mosaic_0001>

<sc_bundles>
// kernel: kernel.6.cloned.1.call-start
scs
__scs_entry_jumppad:
0x0: {  	(pc) =	sbr.rel $0x88, $3  }
0x1: {  	(tag) =	ssettag $0x0;
	lr =	simm.s32 $0x1  }
0x2: {  	[smem:$0x3F9C] =	sst lr;
	_ =	strace $0xD0000000  }
0x3: {  	_ = 	snop  }
0x4: {  	_ = 	snop  }
0x5: {  	_ = 	snop  }
0x6: {  	_ = 	snop  }
0x7: {  	_ = 	snop  }
__scs_overlays_trampoline_lowered:
0x8: {  	[smem:$0x3FAB] =	sst s0  }
0x9: {  	[smem:$0x3FAC] =	sst s1  }
0xa: {  	[smem:$0x3FAD] =	sst s2  }
0xb: {  	[smem:$0x3FAE] =	sst s3  }
0xc: {  	[smem:$0x3FAF] =	sst s4  }
0xd: {  	[smem:$0x3FB0] =	sst s5  }
0xe: {  	[smem:$0x3FB1] =	sst s6  }
0xf: {  	[smem:$0x3FB2] =	sst s7  }
0x10: {  	[smem:$0x3FB3] =	sst s8  }
0x11: {  	[smem:$0x3FB4] =	sst s9;
	s0 =	simm.s32 @!p0 $0x0  }
0x12: {  	s1 =	sld [smem:$0x3F9A];
	s0 =	simm.s32 @p0 $0x1  }
0x13: {  	[smem:$0x3FB5] =	sst s0;
	s0 =	simm.s32 @!p1 $0x0  }
0x14: {  	s2 =	sld [smem:$0x3F99];
	s0 =	simm.s32 @p1 $0x1  }
0x15: {  	[smem:$0x3FB6] =	sst s0;
	s0 =	simm.s32 @!p2 $0x0  }
0x16: {  	s3 =	sld [smem:$0x3FDB];
	s0 =	simm.s32 @p2 $0x1  }
0x17: {  	s4 =	simm.s32 $0x1BF5;
	[smem:$0x3FB8] =	sst s0  }
0x18: {  	s0 =	sld [smem:$0x3F9B];
	_ =	swait.ge [sflag:s4], $0x0  }
0x19: {  	s7 =	sld [smem:$0x3F9C]  }
0x1a: {  	s8 =	sadd.s32 $0xFFFFE003, lr  }
0x1b: {  	s9 =	sadd.s32 $0xFFFFFEF7, lr;
	s5 =	simm.s32 $0xFFFFFFFF;
	p2 =	slt.u32 s8, $0xFFFFF086  }
0x1c: {  	p1 =	slt.u32 s9, $0xF7A;
	s5 =	simm.s32 @!p2 $0x0  }
0x1d: {  	s5 =	simm.s32 @p1 $0x1;
	p0 =	seq.s32 s7, s2  }
0x1e: {  	s7 =	smul.u32 @!p0 $0xF7A, s2;
	p2 =	seq.s32 @!p0 s5, $0x0  }
0x1f: {  	s9 =	smul.u32 $0xF7A, s1;
	s8 =	simm.s32 @!p0 $0x1BF5;
	p2 =	por !p2, p0  }
0x20: {  	[sflag:s8] =	ssyncset.s32 @!p0 $0xFFFFF086;
	s6 =	sadd.s32 @!p0 s3, s7;
	s7 =	simm.s32 @!p0 $0x108  }
0x21: {  	s3 =	sadd.s32 s3, s9;
	s6 =	sadd.s32 @!p0 $0x88, s6;
	s7 =	simm.s32 @p2 $0x1082  }
0x22: {  	[simem:s7], [sflag:s8] =	dma.local @!p0 [hbm:s6], $0xF7A  }
0x23: {  	s9 =	sor.u32 $0xD0000000, s2;
	s6 =	simm.s32 $0x108;
	_ =	swait.ge @!p0 [sflag:s8], $0x0  }
0x24: {  	s3 =	sadd.s32 $0x88, s3;
	s6 =	simm.s32 @!p1 $0x1082;
	[sflag:s4] =	ssyncset.s32 $0xFFFFF086  }
0x25: {  	[simem:s6], [sflag:s4] =	dma.local [hbm:s3], $0xF7A  }
0x26: {  	[smem:$0x3F9C] =	sst s1;
	(tag) =	ssettag s2;
	_ =	strace s9  }
0x27: {  	s1 =	sld [smem:$0x3FAC]  }
0x28: {  	s2 =	sld [smem:$0x3FAD]  }
0x29: {  	s4 =	sld [smem:$0x3FAF]  }
0x2a: {  	p0 =	seq.s32 s5, $0x0;
	s5 =	sld [smem:$0x3FB0]  }
0x2b: {  	s6 =	sld [smem:$0x3FB1]  }
0x2c: {  	s7 =	sld [smem:$0x3FB2]  }
0x2d: {  	s3 =	simm.s32 $0x108;
	s8 =	sld [smem:$0x3FB3]  }
0x2e: {  	s3 =	simm.s32 @!p0 $0x1082;
	s9 =	sld [smem:$0x3FB4]  }
0x2f: {  	lr =	sadd.s32 s0, s3;
	s0 =	sld [smem:$0x3FAB]  }
0x30: {  	s3 =	sld [smem:$0x3FAE]  }
0x31: {  	[smem:$0x3FB7] =	sst s10  }
0x32: {  	s10 =	sld [smem:$0x3FB5];
	_ =	sdelay $0x3  }
0x33: {  	p0 =	seq.s32 s10, $0x1;
	s10 =	sld [smem:$0x3FB7];
	_ =	sdelay $0x3  }
0x34: {  	[smem:$0x3FB7] =	sst s10  }
0x35: {  	s10 =	sld [smem:$0x3FB6];
	_ =	sdelay $0x3  }
0x36: {  	p1 =	seq.s32 s10, $0x1;
	s10 =	sld [smem:$0x3FB7];
	_ =	sdelay $0x3  }
0x37: {  	[smem:$0x3FB7] =	sst s10  }
0x38: {  	s10 =	sld [smem:$0x3FB8]  }
0x39: {  	_ = 	snop;
	(pc) =	sbr.ind lr, $3  }
0x3a: {  	_ = 	snop  }
0x3b: {  	_ = 	snop  }
0x3c: {  	p2 =	seq.s32 s10, $0x1;
	s10 =	sld [smem:$0x3FB7]  }
0x3d: {  	_ =	shalt  }
0x3e: {  	_ =	shalt  }
0x3f: {  	_ =	shalt  }
0x40: {  	_ =	shalt  }
0x41: {  	_ =	shalt  }
0x42: {  	_ =	shalt  }
0x43: {  	_ =	shalt  }
0x44: {  	_ =	shalt  }
0x45: {  	_ =	shalt  }
0x46: {  	_ =	shalt  }
0x47: {  	_ =	shalt  }
0x48: {  	_ =	shalt  }
0x49: {  	_ =	shalt  }
0x4a: {  	_ =	shalt  }
0x4b: {  	_ =	shalt  }
0x4c: {  	_ =	shalt  }
0x4d: {  	_ =	shalt  }
0x4e: {  	_ =	shalt  }
0x4f: {  	_ =	shalt  }
0x50: {  	_ =	shalt  }
0x51: {  	_ =	shalt  }
0x52: {  	_ =	shalt  }
0x53: {  	_ =	shalt  }
0x54: {  	_ =	shalt  }
0x55: {  	_ =	shalt  }
0x56: {  	_ =	shalt  }
0x57: {  	_ =	shalt  }
0x58: {  	_ =	shalt  }
0x59: {  	_ =	shalt  }
0x5a: {  	_ =	shalt  }
0x5b: {  	_ =	shalt  }
0x5c: {  	_ =	shalt  }
0x5d: {  	_ =	shalt  }
0x5e: {  	_ =	shalt  }
0x5f: {  	_ =	shalt  }
0x60: {  	_ =	shalt  }
0x61: {  	_ =	shalt  }
0x62: {  	_ =	shalt  }
0x63: {  	_ =	shalt  }
0x64: {  	_ =	shalt  }
0x65: {  	_ =	shalt  }
0x66: {  	_ =	shalt  }
0x67: {  	_ =	shalt  }
0x68: {  	_ =	shalt  }
0x69: {  	_ =	shalt  }
0x6a: {  	_ =	shalt  }
0x6b: {  	_ =	shalt  }
0x6c: {  	_ =	shalt  }
0x6d: {  	_ =	shalt  }
0x6e: {  	_ =	shalt  }
0x6f: {  	_ =	shalt  }
0x70: {  	_ =	shalt  }
0x71: {  	_ =	shalt  }
0x72: {  	_ =	shalt  }
0x73: {  	_ =	shalt  }
0x74: {  	_ =	shalt  }
0x75: {  	_ =	shalt  }
0x76: {  	_ =	shalt  }
0x77: {  	_ =	shalt  }
0x78: {  	_ =	shalt  }
0x79: {  	_ =	shalt  }
0x7a: {  	_ =	shalt  }
0x7b: {  	_ =	shalt  }
0x7c: {  	_ =	shalt  }
0x7d: {  	_ =	shalt  }
0x7e: {  	_ =	shalt  }
0x7f: {  	_ =	shalt  }
0x80: {  	_ =	shalt  }
0x81: {  	_ =	shalt  }
0x82: {  	_ =	shalt  }
0x83: {  	_ =	shalt  }
0x84: {  	_ =	shalt  }
0x85: {  	_ =	shalt  }
0x86: {  	_ =	shalt  }
0x87: {  	_ =	shalt  }
.Lfunc_end0:
.L_simem_size_0:
called_computation_lowered:
.L_overlay_start_0:
0x88: {  	s2 =	sld [smem:$0x3FD9]  }
0x89: {  	s3 =	sld [smem:$0x3FFE];
	_ =	sdelay $0x1  }
0x8a: {  	s1 =	srdreg.scid  }
0x8b: {  	s0 =	sand.u32 $0x1, s1  }
0x8c: {  	s17 =	sshll.u32 s0, $0xA;
	s2 =	sadd.s32 s3, s2  }
0x8d: {  	s2 =	sadd.s32 s2, s17  }
0x8e: {  	[smem:$0x3FC3] =	sst s2  }
0x8f: {  	_ = 	snop  }
0x90: {  	s2 =	sld [smem:$0x3FD0];
	(tm) =	ssettm $0x1  }
0x91: {  	s18 =	sld [smem:$0x3FFB];
	_ =	sdelay $0x3  }
0x92: {  	_ =	strace s18  }
0x93: {  	s3 =	sld [smem:$0x3FFC];
	_ =	sdelay $0x3  }
0x94: {  	_ =	strace s3  }
0x95: {  	s3 =	sld [smem:$0x3FFD];
	_ =	sdelay $0x3  }
0x96: {  	_ =	strace s3  }
0x97: {  	_ =	strace $0x8FFFFFFF  }
0x98: {  	s19 =	sld [smem:$0x3FDB];
	_ =	sdelay $0x1  }
0x99: {  	s4 =	simm.s32 $_scs_section_size  }
0x9a: {  	s5 =	simm.s32 $_size__tile_overlayer_lowered;
	s6 =	simm.s32 $_tile_overlayer_lowered  }
0x9b: {  	s22 =	simm.s32 $0x1BFF;
	s21 =	sshll.u32 s6, $0x1;
	s3 =	sadd.s32 s4, s19  }
0x9c: {  	s7 =	simm.s32 $0x0;
	s20 =	sshll.u32 s5, $0x1;
	s5 =	sadd.s32 s21, s3  }
0x9d: {  	[timem:s7], [sflag:s22] =	dma.local [hbm:s5], s20  }
0x9e: {  	_ =	swait.ge [sflag:s22], s20  }
0x9f: {  	s4 =	ssub.s32 $0x0, s20;
	[sflag:s22] =	ssyncset.done $0x0  }
0xa0: {  	[sflag:s22] =	ssyncadd.s32 s4;
	_ =	sdelay $0x1  }
0xa1: {  	s23 =	simm.s32 $0x1B8B  }
0xa2: {  	_ =	swait.ge [sflag:s23], $0x1  }
0xa3: {  	[sflag:s23] =	ssyncset.done $0x0  }
0xa4: {  	s25 =	simm.s32 $0x1B8E;
	s24 =	sld [smem:$0x3FFE];
	[sflag:s23] =	ssyncadd.s32 $0xFFFFFFFF  }
0xa5: {  	s26 =	simm.s32 $execute0_lowered;
	[smem:$0x3FD2] =	sst s25  }
0xa6: {  	s5 =	sshll.u32 s26, $0x1;
	_ =	strace $0x80000046;
	[dreg:$0x1] =	wrdreg $0xFFFFFFFF  }
0xa7: {  	s28 =	simm.s32 $_size_execute0_lowered;
	s3 =	sadd.s32 s3, s5;
	[dreg:$0x0] =	wrdreg $0x0  }
0xa8: {  	s5 =	sshll.u32 s28, $0x1;
	[dreg:$0x2] =	wrdreg s3  }
0xa9: {  	[dreg:$0x3] =	wrdreg s5  }
0xaa: {  	[dreg:$0x4] =	wrdreg $0xC0  }
0xab: {  	_ =	task [dreg:s7], $0x5FFFF  }
0xac: {  	[dreg:$0x1] =	wrdreg $0xFFFFFFFF  }
0xad: {  	[dreg:$0x0] =	wrdreg $0x60  }
0xae: {  	[dreg:$0x2] =	wrdreg s24  }
0xaf: {  	[dreg:$0x3] =	wrdreg s2  }
0xb0: {  	[dreg:$0x4] =	wrdreg $0x2B000  }
0xb1: {  	[dreg:$0x5] =	wrdreg $0x9  }
0xb2: {  	_ =	task.clear_ibuf [dreg:s7], $0x6FFFF;
	_ =	strace $0x90000046  }
0xb3: {  	s29 =	simm.s32 $0x9;
	_ =	strace $0x80000048  }
0xb4: {  	_ =	swait.ge [sflag:s29], $0x1  }
0xb5: {  	[sflag:s29] =	ssyncadd.s32 $0xFFFFFFFF  }
0xb6: {  	_ =	strace $0x90000048  }
0xb7: {  	_ =	sfence  }
0xb8: {  	s30 =	sld [smem:$0x0];
	_ =	sdelay $0x2  }
0xb9: {  	s31 =	sshll.u32 s1, $0xD;
	s1 =	sshrl.u32 s1, $0x2  }
0xba: {  	s3 =	sand.u32 $0x4000, s31;
	s1 =	sadd.s32 s1, s30  }
0xbb: {  	s0 =	sor.u32 s3, s0;
	s1 =	sshll.u32 s1, $0x11  }
0xbc: {  	s0 =	sor.u32 s1, s0  }
0xbd: {  	s0 =	sadd.s32 $0x8F2B, s0  }
0xbe: {  	[sflag:s0] =	ssyncadd.remote.s32 $0x1  }
0xbf: {  	_ =	sfence.sel $0xFFFF  }
0xc0: {  	[dreg:$0x0] =	wrdreg $0xFFFFFFFF;
	(pc) =	sbr.abs _section_cstart, $3  }
0xc1: {  	[dreg:$0x1] =	wrdreg $0xFFFFFFFF  }
0xc2: {  	_ =	task.clear_ibuf [dreg:s7], $0x2FFFF;
	_ =	strace $0x9FFFFFFF  }
0xc3: {  	(tm) =	ssettm $0x7FFFFFFF  }
tec
execute0_lowered:
.L_overlay_start_1:
0x0: {  	(tag) =	ssettag $0x1  }
0x1: {  	s3 =	rddreg [dreg:$0x0]  }
0x2: {  	s0 =	srdreg.scid;
	s6 =	rddreg [dreg:$0x1]  }
0x3: {  	s13 =	stileid.u32;
	s1 =	rddreg [dreg:$0x2]  }
0x4: {  	s2 =	simm.s32 $0x0;
	s10 =	simm.s32 $0x1;
	s11 =	simm.s32 $0x80  }
0x5: {  	s12 =	simm.s32 $0x2800;
	s4 =	sand.u32 $0x1, s0;
	s0 =	rddreg [dreg:$0x3]  }
0x6: {  	s15 =	simm.s32 $0x0;
	[smem:$0x7FF] =	sst s2;
	s9 =	smul.u32 $0xA00, s13  }
0x7: {  	s7 =	sshll.u32 s4, $0x4;
	s4 =	ssub.s32 $0x2, s4;
	_ =	strace $0x80000047  }
0x8: {  	s5 =	sor.u32 s13, s7;
	s30 =	sshrl.u32 s4, $0x1;
	s31 =	sshrl.u32 s9, $0x2  }
0x9: {  	s8 =	smul.u32 $0x500, s5;
	p0 =	seq.s32 s5, $0x1F;
	s5 =	simm.s32 $0x5  }
0xa: {  	s6 =	sadd.s32 s6, s7;
	s9 =	simm.s32 $0x3;
	s5 =	simm.s32 @!p0 $0x14  }
0xb: {  	p0 =	sne.s32 s13, $0x0;
	s13 =	simm.s32 $0x2;
	s3 =	sadd.s32 s8, s3  }
0xc: {  	s8 =	ssub.s32 s4, s30;
	s4 =	sadd.s32 s31, s1;
	s14 =	sshrl.u32 @!p0 s1, $0x3  }
0xd: {  	v0 =	vimm.f32 $1.000000000e+00;
	v1 =	vimm.f32 $0.0e+00;
	s3 =	sadd.s32 $0x1200, s3;
	s7 =	smax.u32 s8, $0x1;
	s8 =	simm.s32 $0x2880  }
.LBB2_1:
0xe: {  	[tilespmem:$0x2800] =	vst v0  }
0xf: {  	[tilespmem:$0x2810] =	vst v0  }
0x10: {  	[tilespmem:$0x2820] =	vst v0  }
0x11: {  	[tilespmem:$0x2830] =	vst v0  }
0x12: {  	[tilespmem:$0x2840] =	vst v0  }
0x13: {  	[tilespmem:$0x2850] =	vst v0  }
0x14: {  	[tilespmem:$0x2860] =	vst v0  }
0x15: {  	[tilespmem:$0x2870] =	vst v0  }
0x16: {  	[tilespmem:$0x2880] =	vst v1  }
0x17: {  	[tilespmem:$0x2890] =	vst v1  }
0x18: {  	[tilespmem:$0x28A0] =	vst v1  }
0x19: {  	[tilespmem:$0x28B0] =	vst v1  }
0x1a: {  	[tilespmem:$0x28C0] =	vst v1  }
0x1b: {  	[tilespmem:$0x28D0] =	vst v1  }
0x1c: {  	[tilespmem:$0x28E0] =	vst v1  }
0x1d: {  	[tilespmem:$0x28F0] =	vst v1  }
0x1e: {  	[tilespmem:$0x2900] =	vst v1  }
0x1f: {  	[tilespmem:$0x2910] =	vst v1  }
0x20: {  	[tilespmem:$0x2920] =	vst v1  }
0x21: {  	[tilespmem:$0x2930] =	vst v1  }
0x22: {  	[tilespmem:$0x2940] =	vst v1  }
0x23: {  	[tilespmem:$0x2950] =	vst v1  }
0x24: {  	[tilespmem:$0x2960] =	vst v1  }
0x25: {  	[tilespmem:$0x2970] =	vst v1  }
0x26: {  	[tilespmem:$0x2980] =	vst v1  }
0x27: {  	[tilespmem:$0x2990] =	vst v1  }
0x28: {  	[tilespmem:$0x29A0] =	vst v1  }
0x29: {  	[tilespmem:$0x29B0] =	vst v1  }
0x2a: {  	[tilespmem:$0x29C0] =	vst v1  }
0x2b: {  	[tilespmem:$0x29D0] =	vst v1  }
0x2c: {  	[tilespmem:$0x29E0] =	vst v1  }
0x2d: {  	[tilespmem:$0x29F0] =	vst v1  }
0x2e: {  	[tilespmem:$0x2A00] =	vst v1  }
0x2f: {  	[tilespmem:$0x2A10] =	vst v1  }
0x30: {  	[tilespmem:$0x2A20] =	vst v1  }
0x31: {  	[tilespmem:$0x2A30] =	vst v1  }
0x32: {  	[tilespmem:$0x2A40] =	vst v1  }
0x33: {  	[tilespmem:$0x2A50] =	vst v1  }
0x34: {  	[tilespmem:$0x2A60] =	vst v1  }
0x35: {  	[tilespmem:$0x2A70] =	vst v1  }
0x36: {  	[tilespmem:$0x2A80] =	vst v1  }
0x37: {  	[tilespmem:$0x2A90] =	vst v1  }
0x38: {  	[tilespmem:$0x2AA0] =	vst v1  }
0x39: {  	[tilespmem:$0x2AB0] =	vst v1  }
0x3a: {  	[tilespmem:$0x2AC0] =	vst v1  }
0x3b: {  	[tilespmem:$0x2AD0] =	vst v1  }
0x3c: {  	[tilespmem:$0x2AE0] =	vst v1  }
0x3d: {  	[tilespmem:$0x2AF0] =	vst v1  }
0x3e: {  	[tilespmem:s2], [sflag:$0x1] =	stream.linear.gather [hbm4b:s3+s2], $0x2800, $0x38;
	[tilespmem:$0x2D80] =	vst v63  }
0x3f: {  	_ = 	snop  }
0x40: {  	[spmem:s4] =	stream.linear.scatter [tilespmem:s8], [sflag:$0x3], $0x280, $0x38;
	[tilespmem:$0x2D80] =	vst v63  }
0x41: {  	_ =	swait.ge [sflag:s9], $0x280  }
0x42: {  	[sflag:s9] =	ssyncset.done $0x0  }
0x43: {  	p2 =	sne.s32 s5, $0x1;
	[sflag:s9] =	ssyncadd.s32 $0xFFFFFD80  }
.Ltmp0:
0x44: {  	_ =	swait.ge [sflag:s10], $0x2800;
	(pc) =	sbr.rel @!p2 .LBB2_4-.Ltmp0, $4  }
0x45: {  	[sflag:s10] =	ssyncset.done $0x0  }
0x46: {  	[sflag:s10] =	ssyncadd.s32 $0xFFFFD800  }
0x47: {  	[bflag:$0x0] =	sbarrier.arrive $0xFFFF  }
0x48: {  	s16 =	simm.s32 $0x180;
	s17 =	sadd.s32 $0xFFFFFFFF, s5;
	p1 =	por $0x0, $0x0  }
0x49: {  	s18 =	simm.s32 $0x0  }
0x4a: {  	[spmem:s1] =	stream.indirect.scatter.add.f32 [tilespmem:s12], [sflag:$0x2], $0x1, s18, s11, $0xb8;
	[tilespmem:$0x2D80] =	vst v63  }
0x4b: {  	s30 =	simm.s32 $0x80  }
0x4c: {  	[spmem:s1] =	stream.indirect.scatter.add.f32 [tilespmem:s12], [sflag:$0x2], $0x1, s30, s11, $0xb8;
	[tilespmem:$0x2D80] =	vst v63  }
0x4d: {  	s31 =	simm.s32 $0x100  }
0x4e: {  	[spmem:s1] =	stream.indirect.scatter.add.f32 [tilespmem:s12], [sflag:$0x2], $0x1, s31, s11, $0xb8;
	[tilespmem:$0x2D80] =	vst v63  }
0x4f: {  	_ = 	snop  }
0x50: {  	[spmem:s1] =	stream.indirect.scatter.add.f32 [tilespmem:s12], [sflag:$0x2], $0x1, s16, s11, $0xb8;
	[tilespmem:$0x2D80] =	vst v63  }
0x51: {  	_ =	swait.ge [sflag:s13], $0x80  }
0x52: {  	[sflag:s13] =	ssyncset.done $0x0  }
0x53: {  	[sflag:s13] =	ssyncadd.s32 $0xFFFFFF80  }
0x54: {  	_ =	swait.ge [sflag:s13], $0x80  }
0x55: {  	[sflag:s13] =	ssyncset.done $0x0  }
0x56: {  	p2 =	sne.s32 s17, $0x1;
	[sflag:s13] =	ssyncadd.s32 $0xFFFFFF80  }
.Ltmp1:
0x57: {  	_ =	swait.ge [sflag:s13], $0x80;
	(pc) =	sbr.rel @!p2 .LBB2_4-.Ltmp1, $4  }
0x58: {  	[sflag:s13] =	ssyncset.done $0x0  }
0x59: {  	[sflag:s13] =	ssyncadd.s32 $0xFFFFFF80  }
0x5a: {  	s17 =	sadd.s32 $0xFFFFFFFF, s17;
	_ =	swait.ge [sflag:s13], $0x80  }
0x5b: {  	p1 =	por $0x1, $0x1;
	s16 =	simm.s32 $0x380;
	[sflag:s13] =	ssyncset.done $0x0  }
.LBB2_3:
0x5c: {  	p2 =	sne.s32 s17, $0x1;
	s18 =	sadd.s32 $0xFFFFFE80, s16;
	[sflag:s13] =	ssyncadd.s32 $0xFFFFFF80  }
0x5d: {  	[spmem:s1] =	stream.indirect.scatter.add.f32 [tilespmem:s12], [sflag:$0x2], $0x1, s18, s11, $0xb8;
	[tilespmem:$0x2D80] =	vst v63  }
0x5e: {  	s17 =	sadd.s32 $0xFFFFFFFF, s17;
	s18 =	sadd.s32 $0xFFFFFF00, s16  }
0x5f: {  	[spmem:s1] =	stream.indirect.scatter.add.f32 [tilespmem:s12], [sflag:$0x2], $0x1, s18, s11, $0xb8;
	[tilespmem:$0x2D80] =	vst v63  }
0x60: {  	s18 =	sadd.s32 $0xFFFFFF80, s16  }
0x61: {  	[spmem:s1] =	stream.indirect.scatter.add.f32 [tilespmem:s12], [sflag:$0x2], $0x1, s18, s11, $0xb8;
	[tilespmem:$0x2D80] =	vst v63  }
0x62: {  	_ = 	snop  }
0x63: {  	[spmem:s1] =	stream.indirect.scatter.add.f32 [tilespmem:s12], [sflag:$0x2], $0x1, s16, s11, $0xb8;
	[tilespmem:$0x2D80] =	vst v63  }
0x64: {  	_ =	swait.ge [sflag:s13], $0x80  }
0x65: {  	[sflag:s13] =	ssyncset.done $0x0  }
0x66: {  	[sflag:s13] =	ssyncadd.s32 $0xFFFFFF80  }
0x67: {  	_ =	swait.ge [sflag:s13], $0x80  }
0x68: {  	[sflag:s13] =	ssyncset.done $0x0  }
0x69: {  	[sflag:s13] =	ssyncadd.s32 $0xFFFFFF80  }
.Ltmp2:
0x6a: {  	_ =	swait.ge [sflag:s13], $0x80;
	(pc) =	sbr.rel @p2 .LBB2_3-.Ltmp2, $4  }
0x6b: {  	[sflag:s13] =	ssyncset.done $0x0  }
0x6c: {  	[sflag:s13] =	ssyncadd.s32 $0xFFFFFF80  }
0x6d: {  	_ =	swait.ge [sflag:s13], $0x80  }
0x6e: {  	s16 =	sadd.s32 $0x200, s16;
	[sflag:s13] =	ssyncset.done $0x0  }
.LBB2_4:
0x6f: {  	s17 =	sadd.s32 $0xFFFFFE80, s16;
	[sflag:s13] =	ssyncadd.s32 @p1 $0xFFFFFF80  }
0x70: {  	[spmem:s1] =	stream.indirect.scatter.add.f32 [tilespmem:s12], [sflag:$0x2], $0x1, s17, s11, $0xb8;
	[tilespmem:$0x2D80] =	vst v63  }
0x71: {  	s30 =	sadd.s32 $0xFFFFFF00, s16  }
0x72: {  	[spmem:s1] =	stream.indirect.scatter.add.f32 [tilespmem:s12], [sflag:$0x2], $0x1, s30, s11, $0xb8;
	[tilespmem:$0x2D80] =	vst v63  }
0x73: {  	s31 =	sadd.s32 $0xFFFFFF80, s16  }
0x74: {  	[spmem:s1] =	stream.indirect.scatter.add.f32 [tilespmem:s12], [sflag:$0x2], $0x1, s31, s11, $0xb8;
	[tilespmem:$0x2D80] =	vst v63  }
0x75: {  	_ = 	snop  }
0x76: {  	[spmem:s1] =	stream.indirect.scatter.add.f32 [tilespmem:s12], [sflag:$0x2], $0x1, s16, s11, $0xb8;
	[tilespmem:$0x2D80] =	vst v63  }
0x77: {  	_ =	swait.ge [sflag:s13], $0x80  }
0x78: {  	[sflag:s13] =	ssyncset.done $0x0  }
0x79: {  	[sflag:s13] =	ssyncadd.s32 $0xFFFFFF80  }
0x7a: {  	_ =	swait.ge [sflag:s13], $0x80  }
0x7b: {  	[sflag:s13] =	ssyncset.done $0x0  }
0x7c: {  	[sflag:s13] =	ssyncadd.s32 $0xFFFFFF80  }
0x7d: {  	_ =	swait.ge [sflag:s13], $0x80  }
0x7e: {  	[sflag:s13] =	ssyncset.done $0x0  }
0x7f: {  	[sflag:s13] =	ssyncadd.s32 $0xFFFFFF80  }
0x80: {  	_ =	swait.ge [sflag:s13], $0x80  }
0x81: {  	s18 =	simm.s32 @!p0 $0x10;
	s19 =	simm.s32 @!p0 $0x1C03;
	[sflag:s13] =	ssyncset.done $0x0  }
0x82: {  	s15 =	sadd.s32 $0x1, s15;
	s17 =	simm.s32 @!p0 $0x20;
	[sflag:s13] =	ssyncadd.s32 $0xFFFFFF80  }
0x83: {  	p1 =	sne.s32 s15, s7;
	s16 =	simm.s32 @!p0 $0x1;
	[bflag:$0x0] =	sbarrier.arrive $0xFFFF  }
0x84: {  	[hbm:s6@s17], [sflag:s19] =	dma.strided @!p0 [spmem:s14@s18], $0x500, s16, $0x10   }
.Ltmp3:
0x85: {  	_ = 	snop;
	(pc) =	sbr.rel @p1 .LBB2_1-.Ltmp3, $4  }
0x86: {  	s16 =	simm.s32 @!p0 $0x3  }
0x87: {  	_ =	swait.ge @!p0 [sflag:s16], $0x500  }
0x88: {  	[sflag:s16] =	ssyncset.done @!p0 $0x0  }
0x89: {  	[sflag:s16] =	ssyncadd.s32 @!p0 $0xFFFFFB00  }
0x8a: {  	_ =	sfence.sel $0x180000  }
0x8b: {  	[bflag:$0x0] =	sbarrier.arrive $0xFFFF  }
0x8c: {  	_ =	strace $0x90000047  }
0x8d: {  	s0 =	sadd.s32 @!p0 $0x100000, s0;
	[bflag:$0x2] =	sbarrier.arrive $0xFFFF  }
0x8e: {  	[sflag:s0] =	ssyncadd.tile.s32 @!p0 $0x1;
	_ =	shalt  }
.Lfunc_end2:
_tile_overlayer_lowered:
.L_overlay_start_2:
0x8f: {  	(tag) =	ssettag $0x2  }
0x90: {  	s0 =	rddreg [dreg:$0x0];
	s2 =	stileid.u32  }
0x91: {  	s1 =	rddreg [dreg:$0x1];
	p0 =	sne.s32 s2, $0x0  }
0x92: {  	s3 =	rddreg [dreg:$0x2];
	[bflag:$0x3] =	sbarrier.arrive $0xFFFF;
	s2 =	simm.s32 @!p0 $0x1C03  }
0x93: {  	[timem:s3], [sflag:s2] =	dma.local @!p0 [hbm:s0], s1  }
0x94: {  	s0 =	simm.s32 @!p0 $0x3  }
0x95: {  	_ =	swait.ge @!p0 [sflag:s0], s1  }
0x96: {  	s1 =	ssub.s32 @!p0 $0x0, s1;
	[sflag:s0] =	ssyncset.done @!p0 $0x0  }
0x97: {  	[sflag:s0] =	ssyncadd.s32 @!p0 s1  }
0x98: {  	[bflag:$0x3] =	sbarrier.arrive $0xFFFF  }
0x99: {  	_ =	shalt  }

// kernel: kernel.9.cloned.1.call-start
scs
__scs_entry_jumppad:
0x0: {  	(pc) =	sbr.rel $0x88, $3  }
0x1: {  	(tag) =	ssettag $0x0;
	lr =	simm.s32 $0x1  }
0x2: {  	[smem:$0x3F9C] =	sst lr;
	_ =	strace $0xD0000000  }
0x3: {  	_ = 	snop  }
0x4: {  	_ = 	snop  }
0x5: {  	_ = 	snop  }
0x6: {  	_ = 	snop  }
0x7: {  	_ = 	snop  }
__scs_overlays_trampoline_lowered:
0x8: {  	[smem:$0x3FAB] =	sst s0  }
0x9: {  	[smem:$0x3FAC] =	sst s1  }
0xa: {  	[smem:$0x3FAD] =	sst s2  }
0xb: {  	[smem:$0x3FAE] =	sst s3  }
0xc: {  	[smem:$0x3FAF] =	sst s4  }
0xd: {  	[smem:$0x3FB0] =	sst s5  }
0xe: {  	[smem:$0x3FB1] =	sst s6  }
0xf: {  	[smem:$0x3FB2] =	sst s7  }
0x10: {  	[smem:$0x3FB3] =	sst s8  }
0x11: {  	[smem:$0x3FB4] =	sst s9;
	s0 =	simm.s32 @!p0 $0x0  }
0x12: {  	s1 =	sld [smem:$0x3F9A];
	s0 =	simm.s32 @p0 $0x1  }
0x13: {  	[smem:$0x3FB5] =	sst s0;
	s0 =	simm.s32 @!p1 $0x0  }
0x14: {  	s2 =	sld [smem:$0x3F99];
	s0 =	simm.s32 @p1 $0x1  }
0x15: {  	[smem:$0x3FB6] =	sst s0;
	s0 =	simm.s32 @!p2 $0x0  }
0x16: {  	s3 =	sld [smem:$0x3FDB];
	s0 =	simm.s32 @p2 $0x1  }
0x17: {  	s4 =	simm.s32 $0x1BF5;
	[smem:$0x3FB8] =	sst s0  }
0x18: {  	s0 =	sld [smem:$0x3F9B];
	_ =	swait.ge [sflag:s4], $0x0  }
0x19: {  	s7 =	sld [smem:$0x3F9C]  }
0x1a: {  	s8 =	sadd.s32 $0xFFFFE003, lr  }
0x1b: {  	s9 =	sadd.s32 $0xFFFFFEF7, lr;
	s5 =	simm.s32 $0xFFFFFFFF;
	p2 =	slt.u32 s8, $0xFFFFF086  }
0x1c: {  	p1 =	slt.u32 s9, $0xF7A;
	s5 =	simm.s32 @!p2 $0x0  }
0x1d: {  	s5 =	simm.s32 @p1 $0x1;
	p0 =	seq.s32 s7, s2  }
0x1e: {  	s7 =	smul.u32 @!p0 $0xF7A, s2;
	p2 =	seq.s32 @!p0 s5, $0x0  }
0x1f: {  	s9 =	smul.u32 $0xF7A, s1;
	s8 =	simm.s32 @!p0 $0x1BF5;
	p2 =	por !p2, p0  }
0x20: {  	[sflag:s8] =	ssyncset.s32 @!p0 $0xFFFFF086;
	s6 =	sadd.s32 @!p0 s3, s7;
	s7 =	simm.s32 @!p0 $0x108  }
0x21: {  	s3 =	sadd.s32 s3, s9;
	s6 =	sadd.s32 @!p0 $0x88, s6;
	s7 =	simm.s32 @p2 $0x1082  }
0x22: {  	[simem:s7], [sflag:s8] =	dma.local @!p0 [hbm:s6], $0xF7A  }
0x23: {  	s9 =	sor.u32 $0xD0000000, s2;
	s6 =	simm.s32 $0x108;
	_ =	swait.ge @!p0 [sflag:s8], $0x0  }
0x24: {  	s3 =	sadd.s32 $0x88, s3;
	s6 =	simm.s32 @!p1 $0x1082;
	[sflag:s4] =	ssyncset.s32 $0xFFFFF086  }
0x25: {  	[simem:s6], [sflag:s4] =	dma.local [hbm:s3], $0xF7A  }
0x26: {  	[smem:$0x3F9C] =	sst s1;
	(tag) =	ssettag s2;
	_ =	strace s9  }
0x27: {  	s1 =	sld [smem:$0x3FAC]  }
0x28: {  	s2 =	sld [smem:$0x3FAD]  }
0x29: {  	s4 =	sld [smem:$0x3FAF]  }
0x2a: {  	p0 =	seq.s32 s5, $0x0;
	s5 =	sld [smem:$0x3FB0]  }
0x2b: {  	s6 =	sld [smem:$0x3FB1]  }
0x2c: {  	s7 =	sld [smem:$0x3FB2]  }
0x2d: {  	s3 =	simm.s32 $0x108;
	s8 =	sld [smem:$0x3FB3]  }
0x2e: {  	s3 =	simm.s32 @!p0 $0x1082;
	s9 =	sld [smem:$0x3FB4]  }
0x2f: {  	lr =	sadd.s32 s0, s3;
	s0 =	sld [smem:$0x3FAB]  }
0x30: {  	s3 =	sld [smem:$0x3FAE]  }
0x31: {  	[smem:$0x3FB7] =	sst s10  }
0x32: {  	s10 =	sld [smem:$0x3FB5];
	_ =	sdelay $0x3  }
0x33: {  	p0 =	seq.s32 s10, $0x1;
	s10 =	sld [smem:$0x3FB7];
	_ =	sdelay $0x3  }
0x34: {  	[smem:$0x3FB7] =	sst s10  }
0x35: {  	s10 =	sld [smem:$0x3FB6];
	_ =	sdelay $0x3  }
0x36: {  	p1 =	seq.s32 s10, $0x1;
	s10 =	sld [smem:$0x3FB7];
	_ =	sdelay $0x3  }
0x37: {  	[smem:$0x3FB7] =	sst s10  }
0x38: {  	s10 =	sld [smem:$0x3FB8]  }
0x39: {  	_ = 	snop;
	(pc) =	sbr.ind lr, $3  }
0x3a: {  	_ = 	snop  }
0x3b: {  	_ = 	snop  }
0x3c: {  	p2 =	seq.s32 s10, $0x1;
	s10 =	sld [smem:$0x3FB7]  }
0x3d: {  	_ =	shalt  }
0x3e: {  	_ =	shalt  }
0x3f: {  	_ =	shalt  }
0x40: {  	_ =	shalt  }
0x41: {  	_ =	shalt  }
0x42: {  	_ =	shalt  }
0x43: {  	_ =	shalt  }
0x44: {  	_ =	shalt  }
0x45: {  	_ =	shalt  }
0x46: {  	_ =	shalt  }
0x47: {  	_ =	shalt  }
0x48: {  	_ =	shalt  }
0x49: {  	_ =	shalt  }
0x4a: {  	_ =	shalt  }
0x4b: {  	_ =	shalt  }
0x4c: {  	_ =	shalt  }
0x4d: {  	_ =	shalt  }
0x4e: {  	_ =	shalt  }
0x4f: {  	_ =	shalt  }
0x50: {  	_ =	shalt  }
0x51: {  	_ =	shalt  }
0x52: {  	_ =	shalt  }
0x53: {  	_ =	shalt  }
0x54: {  	_ =	shalt  }
0x55: {  	_ =	shalt  }
0x56: {  	_ =	shalt  }
0x57: {  	_ =	shalt  }
0x58: {  	_ =	shalt  }
0x59: {  	_ =	shalt  }
0x5a: {  	_ =	shalt  }
0x5b: {  	_ =	shalt  }
0x5c: {  	_ =	shalt  }
0x5d: {  	_ =	shalt  }
0x5e: {  	_ =	shalt  }
0x5f: {  	_ =	shalt  }
0x60: {  	_ =	shalt  }
0x61: {  	_ =	shalt  }
0x62: {  	_ =	shalt  }
0x63: {  	_ =	shalt  }
0x64: {  	_ =	shalt  }
0x65: {  	_ =	shalt  }
0x66: {  	_ =	shalt  }
0x67: {  	_ =	shalt  }
0x68: {  	_ =	shalt  }
0x69: {  	_ =	shalt  }
0x6a: {  	_ =	shalt  }
0x6b: {  	_ =	shalt  }
0x6c: {  	_ =	shalt  }
0x6d: {  	_ =	shalt  }
0x6e: {  	_ =	shalt  }
0x6f: {  	_ =	shalt  }
0x70: {  	_ =	shalt  }
0x71: {  	_ =	shalt  }
0x72: {  	_ =	shalt  }
0x73: {  	_ =	shalt  }
0x74: {  	_ =	shalt  }
0x75: {  	_ =	shalt  }
0x76: {  	_ =	shalt  }
0x77: {  	_ =	shalt  }
0x78: {  	_ =	shalt  }
0x79: {  	_ =	shalt  }
0x7a: {  	_ =	shalt  }
0x7b: {  	_ =	shalt  }
0x7c: {  	_ =	shalt  }
0x7d: {  	_ =	shalt  }
0x7e: {  	_ =	shalt  }
0x7f: {  	_ =	shalt  }
0x80: {  	_ =	shalt  }
0x81: {  	_ =	shalt  }
0x82: {  	_ =	shalt  }
0x83: {  	_ =	shalt  }
0x84: {  	_ =	shalt  }
0x85: {  	_ =	shalt  }
0x86: {  	_ =	shalt  }
0x87: {  	_ =	shalt  }
.Lfunc_end0:
.L_simem_size_0:
called_computation.1_lowered:
.L_overlay_start_0:
0x88: {  	s2 =	sld [smem:$0x3FD9]  }
0x89: {  	s3 =	sld [smem:$0x3FFE];
	_ =	sdelay $0x1  }
0x8a: {  	s1 =	srdreg.scid  }
0x8b: {  	s0 =	sand.u32 $0x1, s1  }
0x8c: {  	s17 =	sshll.u32 s0, $0xA;
	s2 =	sadd.s32 s3, s2  }
0x8d: {  	s2 =	sadd.s32 s2, s17  }
0x8e: {  	[smem:$0x3FC3] =	sst s2  }
0x8f: {  	_ = 	snop  }
0x90: {  	s2 =	sld [smem:$0x3FD0];
	(tm) =	ssettm $0x1  }
0x91: {  	s18 =	sld [smem:$0x3FFB];
	_ =	sdelay $0x3  }
0x92: {  	_ =	strace s18  }
0x93: {  	s3 =	sld [smem:$0x3FFC];
	_ =	sdelay $0x3  }
0x94: {  	_ =	strace s3  }
0x95: {  	s3 =	sld [smem:$0x3FFD];
	_ =	sdelay $0x3  }
0x96: {  	_ =	strace s3  }
0x97: {  	_ =	strace $0x8FFFFFFF  }
0x98: {  	s19 =	sld [smem:$0x3FDB];
	_ =	sdelay $0x1  }
0x99: {  	s4 =	simm.s32 $_scs_section_size  }
0x9a: {  	s5 =	simm.s32 $_size__tile_overlayer_lowered;
	s6 =	simm.s32 $_tile_overlayer_lowered  }
0x9b: {  	s22 =	simm.s32 $0x1BFF;
	s21 =	sshll.u32 s6, $0x1;
	s3 =	sadd.s32 s4, s19  }
0x9c: {  	s7 =	simm.s32 $0x0;
	s20 =	sshll.u32 s5, $0x1;
	s5 =	sadd.s32 s21, s3  }
0x9d: {  	[timem:s7], [sflag:s22] =	dma.local [hbm:s5], s20  }
0x9e: {  	_ =	swait.ge [sflag:s22], s20  }
0x9f: {  	s4 =	ssub.s32 $0x0, s20;
	[sflag:s22] =	ssyncset.done $0x0  }
0xa0: {  	[sflag:s22] =	ssyncadd.s32 s4;
	_ =	sdelay $0x1  }
0xa1: {  	s23 =	simm.s32 $0x1B8B  }
0xa2: {  	_ =	swait.ge [sflag:s23], $0x1  }
0xa3: {  	[sflag:s23] =	ssyncset.done $0x0  }
0xa4: {  	s25 =	simm.s32 $0x1B8E;
	s24 =	sld [smem:$0x3FFE];
	[sflag:s23] =	ssyncadd.s32 $0xFFFFFFFF  }
0xa5: {  	s26 =	simm.s32 $execute0_lowered;
	[smem:$0x3FD2] =	sst s25  }
0xa6: {  	s5 =	sshll.u32 s26, $0x1;
	_ =	strace $0x80000049;
	[dreg:$0x1] =	wrdreg $0xFFFFFFFF  }
0xa7: {  	s28 =	simm.s32 $_size_execute0_lowered;
	s3 =	sadd.s32 s3, s5;
	[dreg:$0x0] =	wrdreg $0x0  }
0xa8: {  	s5 =	sshll.u32 s28, $0x1;
	[dreg:$0x2] =	wrdreg s3  }
0xa9: {  	[dreg:$0x3] =	wrdreg s5  }
0xaa: {  	[dreg:$0x4] =	wrdreg $0xC0  }
0xab: {  	_ =	task [dreg:s7], $0x5FFFF  }
0xac: {  	[dreg:$0x1] =	wrdreg $0xFFFFFFFF  }
0xad: {  	[dreg:$0x0] =	wrdreg $0x60  }
0xae: {  	[dreg:$0x2] =	wrdreg s2  }
0xaf: {  	[dreg:$0x3] =	wrdreg s24  }
0xb0: {  	[dreg:$0x4] =	wrdreg $0xA8000  }
0xb1: {  	[dreg:$0x5] =	wrdreg $0x9  }
0xb2: {  	_ =	task.clear_ibuf [dreg:s7], $0x6FFFF;
	_ =	strace $0x90000049  }
0xb3: {  	s29 =	simm.s32 $0x9;
	_ =	strace $0x8000004B  }
0xb4: {  	_ =	swait.ge [sflag:s29], $0x1  }
0xb5: {  	[sflag:s29] =	ssyncadd.s32 $0xFFFFFFFF  }
0xb6: {  	_ =	strace $0x9000004B  }
0xb7: {  	_ =	sfence  }
0xb8: {  	s30 =	sld [smem:$0x0];
	_ =	sdelay $0x2  }
0xb9: {  	s31 =	sshll.u32 s1, $0xD;
	s1 =	sshrl.u32 s1, $0x2  }
0xba: {  	s3 =	sand.u32 $0x4000, s31;
	s1 =	sadd.s32 s1, s30  }
0xbb: {  	s0 =	sor.u32 s3, s0;
	s1 =	sshll.u32 s1, $0x11  }
0xbc: {  	s0 =	sor.u32 s1, s0  }
0xbd: {  	s0 =	sadd.s32 $0x8F2B, s0  }
0xbe: {  	[sflag:s0] =	ssyncadd.remote.s32 $0x1  }
0xbf: {  	_ =	sfence.sel $0xFFFF  }
0xc0: {  	[dreg:$0x0] =	wrdreg $0xFFFFFFFF;
	(pc) =	sbr.abs _section_cstart, $3  }
0xc1: {  	[dreg:$0x1] =	wrdreg $0xFFFFFFFF  }
0xc2: {  	_ =	task.clear_ibuf [dreg:s7], $0x2FFFF;
	_ =	strace $0x9FFFFFFF  }
0xc3: {  	(tm) =	ssettm $0x7FFFFFFF  }
tec
execute0_lowered:
.L_overlay_start_1:
0x0: {  	(tag) =	ssettag $0x1  }
0x1: {  	s0 =	rddreg [dreg:$0x0]  }
0x2: {  	s5 =	rddreg [dreg:$0x1]  }
0x3: {  	s1 =	srdreg.scid;
	s3 =	rddreg [dreg:$0x2]  }
0x4: {  	s2 =	stileid.u32;
	s4 =	simm.s32 $0x0;
	s17 =	simm.s32 $0x3  }
0x5: {  	s18 =	simm.s32 $0x1400;
	s19 =	simm.s32 $0x80;
	s20 =	simm.s32 $0x6800  }
0x6: {  	s21 =	simm.s32 $0x1;
	s22 =	simm.s32 $0x2;
	s23 =	simm.s32 $0x1380  }
0x7: {  	s24 =	simm.s32 $0x2700;
	s6 =	sand.u32 $0x1, s1;
	s1 =	rddreg [dreg:$0x3]  }
0x8: {  	s25 =	simm.s32 $0x2780;
	s8 =	smul.u32 $0x13C00, s2;
	[smem:$0x7FF] =	sst s4  }
0x9: {  	s12 =	sadd.s32 $0x1200, s5;
	s26 =	smul.u32 $0x4F000, s2;
	s13 =	sadd.s32 $0xB200, s5  }
0xa: {  	s7 =	smul.u32 $0x13C000, s6;
	_ =	strace $0x8000004A;
	s28 =	sshll.u32 s6, $0x4  }
0xb: {  	s6 =	ssub.s32 $0x2, s6;
	s29 =	sor.u32 s2, s28;
	s30 =	sshrl.u32 s26, $0x2  }
0xc: {  	s31 =	sshrl.u32 s6, $0x1;
	s7 =	sadd.s32 s8, s7;
	s9 =	smul.u32 $0x2800, s29  }
0xd: {  	s15 =	ssub.s32 s6, s31;
	s11 =	smul.u32 $0x500, s29;
	s7 =	sshrl.u32 s7, $0x3  }
0xe: {  	s15 =	smax.u32 s15, $0x1;
	s14 =	sadd.s32 s7, s5;
	s5 =	sadd.s32 s30, s3  }
0xf: {  	s16 =	sshrl.u32 s9, $0x3;
	s10 =	sadd.s32 s12, s11;
	s11 =	sadd.s32 s13, s11  }
0x10: {  	s6 =	sadd.s32 $0x4000, s5;
	s7 =	sadd.s32 $0x8000, s5;
	s8 =	sadd.s32 $0xC000, s5  }
0x11: {  	s9 =	sadd.s32 $0x10000, s5;
	s16 =	sadd.s32 $0x280, s16;
	s14 =	sadd.s32 $0x15200, s14  }
0x12: {  	v0 =	vimm.f32 $0.0e+00;
	s12 =	sadd.s32 s12, s16;
	s13 =	sadd.s32 s13, s16;
	s16 =	simm.s32 $0x2800  }
.LBB2_1:
0x13: {  	s26 =	simm.s32 $0x0;
	s28 =	simm.s32 $0x200  }
.LBB2_2:
0x14: {  	p0 =	sne.s32 s28, $0xFE00;
	[tilespmem:s26+$0x2870] =	vst v0  }
0x15: {  	[tilespmem:s26+$0x2800] =	vst v0  }
0x16: {  	[tilespmem:s26+$0x2810] =	vst v0  }
.Ltmp0:
0x17: {  	[tilespmem:s26+$0x2820] =	vst v0;
	(pc) =	sbr.rel @p0 .LBB2_2-.Ltmp0, $4  }
0x18: {  	[tilespmem:s26+$0x2830] =	vst v0  }
0x19: {  	[tilespmem:s26+$0x2840] =	vst v0  }
0x1a: {  	[tilespmem:s26+$0x2850] =	vst v0  }
0x1b: {  	[tilespmem:s26+$0x2860] =	vst v0;
	s26 =	sshra.s32 s28, $0x2;
	s28 =	sadd.s32 $0x200, s28  }
0x1c: {  	[tilespmem:s26+$0x2870] =	vst v0  }
0x1d: {  	[tilespmem:s26+$0x2800] =	vst v0  }
0x1e: {  	[tilespmem:s26+$0x2810] =	vst v0  }
0x1f: {  	[tilespmem:s26+$0x2820] =	vst v0  }
0x20: {  	[tilespmem:s26+$0x2830] =	vst v0  }
0x21: {  	[tilespmem:s26+$0x2840] =	vst v0  }
0x22: {  	[tilespmem:s26+$0x2850] =	vst v0  }
0x23: {  	[tilespmem:s26+$0x2860] =	vst v0  }
0x24: {  	[spmem:s5] =	stream.linear.scatter [tilespmem:s16], [sflag:$0x3], $0x4000, $0x38;
	[tilespmem:$0x1E400] =	vst v63  }
0x25: {  	_ =	swait.ge [sflag:s17], $0x4000  }
0x26: {  	[sflag:s17] =	ssyncset.done $0x0  }
0x27: {  	[sflag:s17] =	ssyncadd.s32 $0xFFFFC000  }
0x28: {  	[spmem:s6] =	stream.linear.scatter [tilespmem:s16], [sflag:$0x3], $0x4000, $0x38;
	[tilespmem:$0x1E400] =	vst v63  }
0x29: {  	_ =	swait.ge [sflag:s17], $0x4000  }
0x2a: {  	[sflag:s17] =	ssyncset.done $0x0  }
0x2b: {  	[sflag:s17] =	ssyncadd.s32 $0xFFFFC000  }
0x2c: {  	[spmem:s7] =	stream.linear.scatter [tilespmem:s16], [sflag:$0x3], $0x4000, $0x38;
	[tilespmem:$0x1E400] =	vst v63  }
0x2d: {  	_ =	swait.ge [sflag:s17], $0x4000  }
0x2e: {  	[sflag:s17] =	ssyncset.done $0x0  }
0x2f: {  	[sflag:s17] =	ssyncadd.s32 $0xFFFFC000  }
0x30: {  	[spmem:s8] =	stream.linear.scatter [tilespmem:s16], [sflag:$0x3], $0x4000, $0x38;
	[tilespmem:$0x1E400] =	vst v63  }
0x31: {  	_ =	swait.ge [sflag:s17], $0x4000  }
0x32: {  	[sflag:s17] =	ssyncset.done $0x0  }
0x33: {  	[sflag:s17] =	ssyncadd.s32 $0xFFFFC000  }
0x34: {  	[spmem:s9] =	stream.linear.scatter [tilespmem:s16], [sflag:$0x3], $0x3C00, $0x38;
	[tilespmem:$0x1E400] =	vst v63  }
0x35: {  	_ =	swait.ge [sflag:s17], $0x3C00  }
0x36: {  	[sflag:s17] =	ssyncset.done $0x0  }
0x37: {  	[sflag:s17] =	ssyncadd.s32 $0xFFFFC400  }
0x38: {  	s30 =	simm.s32 $0x0;
	[bflag:$0x0] =	sbarrier.arrive $0xFFFF  }
0x39: {  	[tilespmem:s30], [sflag:$0x3] =	stream.linear.gather [hbm4b:s10+s30], $0x1400, $0x38;
	[tilespmem:$0x1E400] =	vst v63  }
0x3a: {  	_ =	swait.ge [sflag:s17], $0x1400  }
0x3b: {  	[sflag:s17] =	ssyncset.done $0x0  }
0x3c: {  	[sflag:s17] =	ssyncadd.s32 $0xFFFFEC00  }
0x3d: {  	[tilespmem:s18], [sflag:$0x3] =	stream.linear.gather [hbm4b:s11+s30], $0x1400, $0x38;
	[tilespmem:$0x1E400] =	vst v63  }
0x3e: {  	_ =	swait.ge [sflag:s17], $0x1400  }
0x3f: {  	[sflag:s17] =	ssyncset.done $0x0  }
0x40: {  	[sflag:s17] =	ssyncadd.s32 $0xFFFFEC00  }
0x41: {  	[tilespmem:s16], [sflag:$0x1] =	stream.indirect.gather [hbm4b:s0+s19], $0x80, s30, s19, $0xb8;
	[tilespmem:$0x1E400] =	vst v63  }
0x42: {  	s31 =	simm.s32 $0x80  }
0x43: {  	[tilespmem:s20], [sflag:$0x2] =	stream.indirect.gather [hbm4b:s0+s19], $0x80, s31, s19, $0xb8;
	[tilespmem:$0x1E400] =	vst v63  }
0x44: {  	_ =	swait.ge [sflag:s21], $0x4000  }
0x45: {  	[sflag:s21] =	ssyncset.done $0x0  }
0x46: {  	s29 =	simm.s32 $0x1400;
	[sflag:s21] =	ssyncadd.s32 $0xFFFFC000  }
0x47: {  	[spmem:s3] =	stream.indirect.scatter.add.f32 [tilespmem:s16], [sflag:$0x3], $0x80, s29, s19, $0xb8;
	[tilespmem:$0x1E400] =	vst v63  }
0x48: {  	_ =	swait.ge [sflag:s17], $0x4000  }
0x49: {  	[sflag:s17] =	ssyncset.done $0x0  }
0x4a: {  	s30 =	simm.s32 $0x100;
	[sflag:s17] =	ssyncadd.s32 $0xFFFFC000  }
0x4b: {  	[tilespmem:s16], [sflag:$0x1] =	stream.indirect.gather [hbm4b:s0+s19], $0x80, s30, s19, $0xb8;
	[tilespmem:$0x1E400] =	vst v63  }
0x4c: {  	_ =	swait.ge [sflag:s22], $0x4000  }
0x4d: {  	[sflag:s22] =	ssyncset.done $0x0  }
0x4e: {  	s31 =	simm.s32 $0x1480;
	[sflag:s22] =	ssyncadd.s32 $0xFFFFC000  }
0x4f: {  	[spmem:s3] =	stream.indirect.scatter.add.f32 [tilespmem:s20], [sflag:$0x3], $0x80, s31, s19, $0xb8;
	[tilespmem:$0x1E400] =	vst v63  }
0x50: {  	_ =	swait.ge [sflag:s17], $0x4000  }
0x51: {  	s28 =	simm.s32 $0x800;
	s26 =	simm.s32 $0x100;
	[sflag:s17] =	ssyncset.done $0x0  }
.LBB2_4:
0x52: {  	s29 =	sadd.s32 $0x80, s26  }
0x53: {  	[sflag:s17] =	ssyncadd.s32 $0xFFFFC000;
	s30 =	smov.u32 s28;
	s31 =	sadd.s32 $0x400, s28  }
0x54: {  	[tilespmem:s20], [sflag:$0x2] =	stream.indirect.gather [hbm4b:s0+s19], $0x80, s29, s19, $0xb8;
	[tilespmem:$0x1E400] =	vst v63  }
0x55: {  	p0 =	sne.s32 s28, $0x4800;
	_ =	swait.ge [sflag:s21], $0x4000  }
0x56: {  	[sflag:s21] =	ssyncset.done $0x0  }
0x57: {  	s28 =	sadd.s32 $0x1400, s26;
	[sflag:s21] =	ssyncadd.s32 $0xFFFFC000  }
0x58: {  	[spmem:s3] =	stream.indirect.scatter.add.f32 [tilespmem:s16], [sflag:$0x3], $0x80, s28, s19, $0xb8;
	[tilespmem:$0x1E400] =	vst v63  }
0x59: {  	_ =	swait.ge [sflag:s17], $0x4000  }
0x5a: {  	[sflag:s17] =	ssyncset.done $0x0  }
0x5b: {  	s28 =	sadd.s32 $0x100, s26;
	[sflag:s17] =	ssyncadd.s32 $0xFFFFC000  }
0x5c: {  	[tilespmem:s16], [sflag:$0x1] =	stream.indirect.gather [hbm4b:s0+s19], $0x80, s28, s19, $0xb8;
	[tilespmem:$0x1E400] =	vst v63  }
0x5d: {  	_ =	swait.ge [sflag:s22], $0x4000  }
.Ltmp1:
0x5e: {  	[sflag:s22] =	ssyncset.done $0x0;
	(pc) =	sbr.rel @p0 .LBB2_4-.Ltmp1, $4  }
0x5f: {  	s26 =	sadd.s32 $0x1480, s26;
	[sflag:s22] =	ssyncadd.s32 $0xFFFFC000  }
0x60: {  	[spmem:s3] =	stream.indirect.scatter.add.f32 [tilespmem:s20], [sflag:$0x3], $0x80, s26, s19, $0xb8;
	[tilespmem:$0x1E400] =	vst v63  }
0x61: {  	_ =	swait.ge [sflag:s17], $0x4000  }
0x62: {  	s28 =	smov.u32 s31;
	s26 =	sshra.s32 s30, $0x2;
	[sflag:s17] =	ssyncset.done $0x0  }
0x63: {  	s28 =	sadd.s32 $0x80, s26;
	[sflag:s17] =	ssyncadd.s32 $0xFFFFC000  }
0x64: {  	[tilespmem:s20], [sflag:$0x2] =	stream.indirect.gather [hbm4b:s0+s19], $0x80, s28, s19, $0xb8;
	[tilespmem:$0x1E400] =	vst v63  }
0x65: {  	_ =	swait.ge [sflag:s21], $0x4000  }
0x66: {  	[sflag:s21] =	ssyncset.done $0x0  }
0x67: {  	s28 =	sadd.s32 $0x1400, s26;
	[sflag:s21] =	ssyncadd.s32 $0xFFFFC000  }
0x68: {  	[spmem:s3] =	stream.indirect.scatter.add.f32 [tilespmem:s16], [sflag:$0x3], $0x80, s28, s19, $0xb8;
	[tilespmem:$0x1E400] =	vst v63  }
0x69: {  	_ =	swait.ge [sflag:s17], $0x4000  }
0x6a: {  	[sflag:s17] =	ssyncset.done $0x0  }
0x6b: {  	s28 =	sadd.s32 $0x100, s26;
	[sflag:s17] =	ssyncadd.s32 $0xFFFFC000  }
0x6c: {  	[tilespmem:s16], [sflag:$0x1] =	stream.indirect.gather [hbm4b:s0+s19], $0x80, s28, s19, $0xb8;
	[tilespmem:$0x1E400] =	vst v63  }
0x6d: {  	_ =	swait.ge [sflag:s22], $0x4000  }
0x6e: {  	[sflag:s22] =	ssyncset.done $0x0  }
0x6f: {  	s29 =	sadd.s32 $0x1480, s26;
	[sflag:s22] =	ssyncadd.s32 $0xFFFFC000  }
0x70: {  	[spmem:s3] =	stream.indirect.scatter.add.f32 [tilespmem:s20], [sflag:$0x3], $0x80, s29, s19, $0xb8;
	[tilespmem:$0x1E400] =	vst v63  }
0x71: {  	_ =	swait.ge [sflag:s17], $0x4000  }
0x72: {  	[sflag:s17] =	ssyncset.done $0x0  }
0x73: {  	[sflag:s17] =	ssyncadd.s32 $0xFFFFC000  }
0x74: {  	[tilespmem:s20], [sflag:$0x2] =	stream.indirect.gather [hbm4b:s0+s19], $0x80, s23, s19, $0xb8;
	[tilespmem:$0x1E400] =	vst v63  }
0x75: {  	_ =	swait.ge [sflag:s21], $0x4000  }
0x76: {  	[sflag:s21] =	ssyncset.done $0x0  }
0x77: {  	[sflag:s21] =	ssyncadd.s32 $0xFFFFC000  }
0x78: {  	[spmem:s3] =	stream.indirect.scatter.add.f32 [tilespmem:s16], [sflag:$0x3], $0x80, s24, s19, $0xb8;
	[tilespmem:$0x1E400] =	vst v63  }
0x79: {  	_ =	swait.ge [sflag:s17], $0x4000  }
0x7a: {  	[sflag:s17] =	ssyncset.done $0x0  }
0x7b: {  	[sflag:s17] =	ssyncadd.s32 $0xFFFFC000  }
0x7c: {  	_ =	swait.ge [sflag:s22], $0x4000  }
0x7d: {  	[sflag:s22] =	ssyncset.done $0x0  }
0x7e: {  	[sflag:s22] =	ssyncadd.s32 $0xFFFFC000  }
0x7f: {  	[spmem:s3] =	stream.indirect.scatter.add.f32 [tilespmem:s20], [sflag:$0x3], $0x80, s25, s19, $0xb8;
	[tilespmem:$0x1E400] =	vst v63  }
0x80: {  	_ =	swait.ge [sflag:s17], $0x4000  }
0x81: {  	[sflag:s17] =	ssyncset.done $0x0  }
0x82: {  	s30 =	simm.s32 $0x0;
	[sflag:s17] =	ssyncadd.s32 $0xFFFFC000  }
0x83: {  	[tilespmem:s30], [sflag:$0x3] =	stream.linear.gather [hbm4b:s12+s30], $0x1400, $0x38;
	[tilespmem:$0x1E400] =	vst v63  }
0x84: {  	_ =	swait.ge [sflag:s17], $0x1400  }
0x85: {  	[sflag:s17] =	ssyncset.done $0x0  }
0x86: {  	[sflag:s17] =	ssyncadd.s32 $0xFFFFEC00  }
0x87: {  	[tilespmem:s18], [sflag:$0x3] =	stream.linear.gather [hbm4b:s13+s30], $0x1400, $0x38;
	[tilespmem:$0x1E400] =	vst v63  }
0x88: {  	_ =	swait.ge [sflag:s17], $0x1400  }
0x89: {  	[sflag:s17] =	ssyncset.done $0x0  }
0x8a: {  	[sflag:s17] =	ssyncadd.s32 $0xFFFFEC00  }
0x8b: {  	[tilespmem:s16], [sflag:$0x1] =	stream.indirect.gather [hbm4b:s0+s19], $0x80, s30, s19, $0xb8;
	[tilespmem:$0x1E400] =	vst v63  }
0x8c: {  	s31 =	simm.s32 $0x80  }
0x8d: {  	[tilespmem:s20], [sflag:$0x2] =	stream.indirect.gather [hbm4b:s0+s19], $0x80, s31, s19, $0xb8;
	[tilespmem:$0x1E400] =	vst v63  }
0x8e: {  	_ =	swait.ge [sflag:s21], $0x4000  }
0x8f: {  	[sflag:s21] =	ssyncset.done $0x0  }
0x90: {  	s29 =	simm.s32 $0x1400;
	[sflag:s21] =	ssyncadd.s32 $0xFFFFC000  }
0x91: {  	[spmem:s3] =	stream.indirect.scatter.add.f32 [tilespmem:s16], [sflag:$0x3], $0x80, s29, s19, $0xb8;
	[tilespmem:$0x1E400] =	vst v63  }
0x92: {  	_ =	swait.ge [sflag:s17], $0x4000  }
0x93: {  	[sflag:s17] =	ssyncset.done $0x0  }
0x94: {  	s30 =	simm.s32 $0x100;
	[sflag:s17] =	ssyncadd.s32 $0xFFFFC000  }
0x95: {  	[tilespmem:s16], [sflag:$0x1] =	stream.indirect.gather [hbm4b:s0+s19], $0x80, s30, s19, $0xb8;
	[tilespmem:$0x1E400] =	vst v63  }
0x96: {  	_ =	swait.ge [sflag:s22], $0x4000  }
0x97: {  	[sflag:s22] =	ssyncset.done $0x0  }
0x98: {  	s31 =	simm.s32 $0x1480;
	[sflag:s22] =	ssyncadd.s32 $0xFFFFC000  }
0x99: {  	[spmem:s3] =	stream.indirect.scatter.add.f32 [tilespmem:s20], [sflag:$0x3], $0x80, s31, s19, $0xb8;
	[tilespmem:$0x1E400] =	vst v63  }
0x9a: {  	_ =	swait.ge [sflag:s17], $0x4000  }
0x9b: {  	s26 =	simm.s32 $0x100;
	s28 =	simm.s32 $0x800;
	[sflag:s17] =	ssyncset.done $0x0  }
.LBB2_6:
0x9c: {  	s29 =	sadd.s32 $0x80, s26  }
0x9d: {  	[sflag:s17] =	ssyncadd.s32 $0xFFFFC000;
	s30 =	smov.u32 s28;
	s31 =	sadd.s32 $0x400, s28  }
0x9e: {  	[tilespmem:s20], [sflag:$0x2] =	stream.indirect.gather [hbm4b:s0+s19], $0x80, s29, s19, $0xb8;
	[tilespmem:$0x1E400] =	vst v63  }
0x9f: {  	p0 =	sne.s32 s28, $0x4800;
	_ =	swait.ge [sflag:s21], $0x4000  }
0xa0: {  	[sflag:s21] =	ssyncset.done $0x0  }
0xa1: {  	s28 =	sadd.s32 $0x1400, s26;
	[sflag:s21] =	ssyncadd.s32 $0xFFFFC000  }
0xa2: {  	[spmem:s3] =	stream.indirect.scatter.add.f32 [tilespmem:s16], [sflag:$0x3], $0x80, s28, s19, $0xb8;
	[tilespmem:$0x1E400] =	vst v63  }
0xa3: {  	_ =	swait.ge [sflag:s17], $0x4000  }
0xa4: {  	[sflag:s17] =	ssyncset.done $0x0  }
0xa5: {  	s28 =	sadd.s32 $0x100, s26;
	[sflag:s17] =	ssyncadd.s32 $0xFFFFC000  }
0xa6: {  	[tilespmem:s16], [sflag:$0x1] =	stream.indirect.gather [hbm4b:s0+s19], $0x80, s28, s19, $0xb8;
	[tilespmem:$0x1E400] =	vst v63  }
0xa7: {  	_ =	swait.ge [sflag:s22], $0x4000  }
.Ltmp2:
0xa8: {  	[sflag:s22] =	ssyncset.done $0x0;
	(pc) =	sbr.rel @p0 .LBB2_6-.Ltmp2, $4  }
0xa9: {  	s26 =	sadd.s32 $0x1480, s26;
	[sflag:s22] =	ssyncadd.s32 $0xFFFFC000  }
0xaa: {  	[spmem:s3] =	stream.indirect.scatter.add.f32 [tilespmem:s20], [sflag:$0x3], $0x80, s26, s19, $0xb8;
	[tilespmem:$0x1E400] =	vst v63  }
0xab: {  	_ =	swait.ge [sflag:s17], $0x4000  }
0xac: {  	s28 =	smov.u32 s31;
	s26 =	sshra.s32 s30, $0x2;
	[sflag:s17] =	ssyncset.done $0x0  }
0xad: {  	s28 =	sadd.s32 $0x80, s26;
	[sflag:s17] =	ssyncadd.s32 $0xFFFFC000  }
0xae: {  	[tilespmem:s20], [sflag:$0x2] =	stream.indirect.gather [hbm4b:s0+s19], $0x80, s28, s19, $0xb8;
	[tilespmem:$0x1E400] =	vst v63  }
0xaf: {  	_ =	swait.ge [sflag:s21], $0x4000  }
0xb0: {  	[sflag:s21] =	ssyncset.done $0x0  }
0xb1: {  	s30 =	sadd.s32 $0x1400, s26;
	[sflag:s21] =	ssyncadd.s32 $0xFFFFC000  }
0xb2: {  	[spmem:s3] =	stream.indirect.scatter.add.f32 [tilespmem:s16], [sflag:$0x3], $0x80, s30, s19, $0xb8;
	[tilespmem:$0x1E400] =	vst v63  }
0xb3: {  	_ =	swait.ge [sflag:s17], $0x4000  }
0xb4: {  	[sflag:s17] =	ssyncset.done $0x0  }
0xb5: {  	s31 =	sadd.s32 $0x100, s26;
	[sflag:s17] =	ssyncadd.s32 $0xFFFFC000  }
0xb6: {  	[tilespmem:s16], [sflag:$0x1] =	stream.indirect.gather [hbm4b:s0+s19], $0x80, s31, s19, $0xb8;
	[tilespmem:$0x1E400] =	vst v63  }
0xb7: {  	_ =	swait.ge [sflag:s22], $0x4000  }
0xb8: {  	[sflag:s22] =	ssyncset.done $0x0  }
0xb9: {  	s29 =	sadd.s32 $0x1480, s26;
	[sflag:s22] =	ssyncadd.s32 $0xFFFFC000  }
0xba: {  	[spmem:s3] =	stream.indirect.scatter.add.f32 [tilespmem:s20], [sflag:$0x3], $0x80, s29, s19, $0xb8;
	[tilespmem:$0x1E400] =	vst v63  }
0xbb: {  	_ =	swait.ge [sflag:s17], $0x4000  }
0xbc: {  	[sflag:s17] =	ssyncset.done $0x0  }
0xbd: {  	[sflag:s17] =	ssyncadd.s32 $0xFFFFC000  }
0xbe: {  	[tilespmem:s20], [sflag:$0x2] =	stream.indirect.gather [hbm4b:s0+s19], $0x80, s23, s19, $0xb8;
	[tilespmem:$0x1E400] =	vst v63  }
0xbf: {  	_ =	swait.ge [sflag:s21], $0x4000  }
0xc0: {  	[sflag:s21] =	ssyncset.done $0x0  }
0xc1: {  	[sflag:s21] =	ssyncadd.s32 $0xFFFFC000  }
0xc2: {  	[spmem:s3] =	stream.indirect.scatter.add.f32 [tilespmem:s16], [sflag:$0x3], $0x80, s24, s19, $0xb8;
	[tilespmem:$0x1E400] =	vst v63  }
0xc3: {  	_ =	swait.ge [sflag:s17], $0x4000  }
0xc4: {  	[sflag:s17] =	ssyncset.done $0x0  }
0xc5: {  	[sflag:s17] =	ssyncadd.s32 $0xFFFFC000  }
0xc6: {  	_ =	swait.ge [sflag:s22], $0x4000  }
0xc7: {  	[sflag:s22] =	ssyncset.done $0x0  }
0xc8: {  	[sflag:s22] =	ssyncadd.s32 $0xFFFFC000  }
0xc9: {  	[spmem:s3] =	stream.indirect.scatter.add.f32 [tilespmem:s20], [sflag:$0x3], $0x80, s25, s19, $0xb8;
	[tilespmem:$0x1E400] =	vst v63  }
0xca: {  	_ =	swait.ge [sflag:s17], $0x4000  }
0xcb: {  	s4 =	sadd.s32 $0x1, s4;
	s30 =	sshll.u32 s2, $0x6;
	[sflag:s17] =	ssyncset.done $0x0  }
0xcc: {  	p0 =	sne.s32 s4, s15;
	s26 =	sor.u32 $0x1C03, s30;
	[sflag:s17] =	ssyncadd.s32 $0xFFFFC000  }
.Ltmp3:
0xcd: {  	s31 =	sshrl.u32 s5, $0x3;
	[bflag:$0x0] =	sbarrier.arrive $0xFFFF;
	(pc) =	sbr.rel @p0 .LBB2_1-.Ltmp3, $4  }
0xce: {  	[hbm:s14], [sflag:s26] =	dma.local [spmem:s31], $0x2780  }
0xcf: {  	_ =	swait.ge [sflag:s17], $0x2780  }
0xd0: {  	[sflag:s17] =	ssyncset.done $0x0  }
0xd1: {  	[sflag:s17] =	ssyncadd.s32 $0xFFFFD880  }
0xd2: {  	_ =	sfence.sel $0x180000  }
0xd3: {  	[bflag:$0x0] =	sbarrier.arrive $0xFFFF  }
0xd4: {  	p0 =	sne.s32 s2, $0x0;
	_ =	strace $0x9000004A  }
0xd5: {  	s0 =	sadd.s32 @!p0 $0x100000, s1;
	[bflag:$0x2] =	sbarrier.arrive $0xFFFF  }
0xd6: {  	[sflag:s0] =	ssyncadd.tile.s32 @!p0 $0x1;
	_ =	shalt  }
.Lfunc_end2:
_tile_overlayer_lowered:
.L_overlay_start_2:
0xd7: {  	(tag) =	ssettag $0x2  }
0xd8: {  	s0 =	rddreg [dreg:$0x0];
	s2 =	stileid.u32  }
0xd9: {  	s1 =	rddreg [dreg:$0x1];
	p0 =	sne.s32 s2, $0x0  }
0xda: {  	s3 =	rddreg [dreg:$0x2];
	[bflag:$0x3] =	sbarrier.arrive $0xFFFF;
	s2 =	simm.s32 @!p0 $0x1C03  }
0xdb: {  	[timem:s3], [sflag:s2] =	dma.local @!p0 [hbm:s0], s1  }
0xdc: {  	s0 =	simm.s32 @!p0 $0x3  }
0xdd: {  	_ =	swait.ge @!p0 [sflag:s0], s1  }
0xde: {  	s1 =	ssub.s32 @!p0 $0x0, s1;
	[sflag:s0] =	ssyncset.done @!p0 $0x0  }
0xdf: {  	[sflag:s0] =	ssyncadd.s32 @!p0 s1  }
0xe0: {  	[bflag:$0x3] =	sbarrier.arrive $0xFFFF  }
0xe1: {  	_ =	shalt  }

</sc_bundles>
